<compile_context>
chip_gen: v7x
topology: tpu7x:2x2x1
jax: 0.10.2.dev20260603
libtpu: 0.0.44.dev20260713+nightly
codegen_flags: <defaults>
</compile_context>

<pallas_src>
import functools

import jax
import jax.numpy as jnp
from jax import lax
from jax.experimental import pallas as pl
from jax.experimental.pallas import tpu as pltpu
from jax.experimental.pallas import tpu_sc as plsc

B_TOKENS = 2048
Z = 512
D = 512
K = 16384
KT = 1024
N_KT = K // KT


def _mm_t(a, b):
    return lax.dot_general(
        a.astype(jnp.bfloat16), b.astype(jnp.bfloat16),
        dimension_numbers=(((1,), (1,)), ((), ())),
        preferred_element_type=jnp.float32,
    )


def _encode_body(x_ref, w_ref, b_ref, z_ref):
    z_ref[...] = _mm_t(x_ref[...], w_ref[...]) + b_ref[...]


def _encode(x2d, enc_W, enc_b):
    return pl.pallas_call(
        _encode_body,
        out_shape=jax.ShapeDtypeStruct((B_TOKENS, Z), jnp.float32),
    )(x2d, enc_W, enc_b.reshape(1, Z))


def _vq_body(has_sub, *refs):
    if has_sub:
        z_ref, q_ref, cb_ref, idx_ref, best_val, best_idx = refs
        resid = z_ref[...] - q_ref[...]
    else:
        z_ref, cb_ref, idx_ref, best_val, best_idx = refs
        resid = z_ref[...]
    k = pl.program_id(0)
    cb = cb_ref[...]
    r_sq = jnp.sum(resid * resid, axis=1, keepdims=True)
    cb_sq = jnp.sum(cb * cb, axis=1)
    dots = _mm_t(resid, cb)
    dist = r_sq - 2.0 * dots + cb_sq[None, :]
    tmin = jnp.min(dist, axis=1, keepdims=True)
    cols = lax.broadcasted_iota(jnp.int32, (B_TOKENS, KT), 1)
    targ = jnp.min(jnp.where(dist == tmin, cols, KT), axis=1, keepdims=True)
    gidx = targ + k * KT

    @pl.when(k == 0)
    def _():
        best_val[...] = tmin
        best_idx[...] = gidx

    @pl.when(k > 0)
    def _():
        upd = tmin < best_val[...]
        best_idx[...] = jnp.where(upd, gidx, best_idx[...])
        best_val[...] = jnp.where(upd, tmin, best_val[...])

    @pl.when(k == N_KT - 1)
    def _():
        idx_ref[...] = best_idx[...]


def _vq_argmin(z, codebook, q=None):
    full = pl.BlockSpec((B_TOKENS, Z), lambda k: (0, 0))
    in_specs = [full] + ([full] if q is not None else []) + [
        pl.BlockSpec((KT, Z), lambda k: (k, 0))]
    args = (z, q, codebook) if q is not None else (z, codebook)
    return pl.pallas_call(
        functools.partial(_vq_body, q is not None),
        grid=(N_KT,),
        in_specs=in_specs,
        out_specs=pl.BlockSpec((B_TOKENS, 1), lambda k: (0, 0)),
        out_shape=jax.ShapeDtypeStruct((B_TOKENS, 1), jnp.int32),
        scratch_shapes=[
            pltpu.VMEM((B_TOKENS, 1), jnp.float32),
            pltpu.VMEM((B_TOKENS, 1), jnp.int32),
        ],
    )(*args)


@functools.cache
def _make_sc_gather():
    try:
        info = plsc.get_sparse_core_info()
        num_cores, num_subcores = info.num_cores, info.num_subcores
    except Exception:
        num_cores, num_subcores = 2, 16
    nw = num_cores * num_subcores
    b_per_w = B_TOKENS // nw
    mesh = plsc.VectorSubcoreMesh(core_axis_name="c", subcore_axis_name="s")

    @functools.partial(
        pl.kernel,
        mesh=mesh,
        out_type=jax.ShapeDtypeStruct((B_TOKENS, Z), jnp.float32),
        scratch_types=[
            pltpu.VMEM((b_per_w,), jnp.int32),
            pltpu.VMEM((b_per_w, Z), jnp.float32),
            pltpu.SemaphoreType.DMA,
        ],
    )
    def gather_rows(table_hbm, idx_hbm, out_hbm, idx_v, rows_v, sem):
        wid = lax.axis_index("s") * num_cores + lax.axis_index("c")
        base = wid * b_per_w
        pltpu.sync_copy(idx_hbm.at[pl.ds(base, b_per_w)], idx_v)
        pltpu.async_copy(table_hbm.at[idx_v], rows_v, sem).wait()
        pltpu.sync_copy(rows_v, out_hbm.at[pl.ds(base, b_per_w)])

    return gather_rows


def _sc_gather(table, idx):
    return _make_sc_gather()(table, idx)


def _decode_body(z_ref, q1_ref, q2_ref, w_ref, b_ref, out_ref):
    z = z_ref[...]
    q1 = q1_ref[...]
    q2 = q2_ref[...]
    r2 = z - q1
    qout = (z + (q1 - z)) + (r2 + (q2 - r2))
    out_ref[...] = _mm_t(qout, w_ref[...]) + b_ref[...]


def _decode(z, q1, q2, dec_W, dec_b):
    return pl.pallas_call(
        _decode_body,
        out_shape=jax.ShapeDtypeStruct((B_TOKENS, D), jnp.float32),
    )(z, q1, q2, dec_W, dec_b.reshape(1, D))


def kernel(x, enc_W, enc_b, codebook, dec_W, dec_b):
    b, t, d = x.shape
    x2d = x.reshape(B_TOKENS, D)
    z = _encode(x2d, enc_W, enc_b)
    idx1 = _vq_argmin(z, codebook).reshape(B_TOKENS)
    q1 = _sc_gather(codebook, idx1)
    idx2 = _vq_argmin(z, codebook, q=q1).reshape(B_TOKENS)
    q2 = _sc_gather(codebook, idx2)
    out = _decode(z, q1, q2, dec_W, dec_b)
    return out.reshape(b, t, d)

# --- scband reference (transcript-rebuilt; emitter-appended) ---
"""Pipeline reference for scband-autoencoder-45148696216751 (READ-ONLY COPY).

The authoritative reference and input builder live on the scoring server;
editing this copy changes nothing except your own understanding.
"""

import jax, jax.numpy as jnp
import numpy as np

CODEBOOK_SIZE = 16 * 1024
NUM_QUANTIZERS = 2
Z_CHANNELS = 512
D_IN = 512

def setup_inputs(seed: int = 0) -> dict:
    key = jax.random.key(seed)
    ks = jax.random.split(key, 6)
    x = jax.random.normal(ks[0], (4, 512, D_IN), dtype=jnp.float32)
    enc_W = jax.random.normal(ks[1], (Z_CHANNELS, D_IN), dtype=jnp.float32) * (1.0 / np.sqrt(D_IN))
    enc_b = jnp.zeros((Z_CHANNELS,), dtype=jnp.float32)
    codebook = jax.random.normal(ks[2], (CODEBOOK_SIZE, Z_CHANNELS), dtype=jnp.float32)
    dec_W = jax.random.normal(ks[3], (D_IN, Z_CHANNELS), dtype=jnp.float32) * (1.0 / np.sqrt(Z_CHANNELS))
    dec_b = jnp.zeros((D_IN,), dtype=jnp.float32)
    return {"x": x, "enc_W": enc_W, "enc_b": enc_b, "codebook": codebook, "dec_W": dec_W, "dec_b": dec_b}

def _vq_nearest(residual, codebook):
    # residual: [B, T, Z]; codebook: [K, Z]
    cb_sq = jnp.sum(codebook * codebook, axis=-1)            # [K]
    dots = jnp.einsum('btz,kz->btk', residual, codebook)     # [B, T, K]  (compute-heavy matmul)
    r_sq = jnp.sum(residual * residual, axis=-1, keepdims=True)
    dist = r_sq - 2.0 * dots + cb_sq[None, None, :]
    idx = jnp.argmin(dist, axis=-1)                          # [B, T]
    quantized = jnp.take(codebook, idx, axis=0)              # gather -> [B, T, Z]
    return quantized, idx

def reference(x, enc_W, enc_b, codebook, dec_W, dec_b):
    # encoder
    z = jnp.einsum('btd,zd->btz', x, enc_W) + enc_b
    # residual VQ with shared codebook, deterministic nearest-neighbor
    residual = z
    quantized_out = jnp.zeros_like(z)
    for _ in range(NUM_QUANTIZERS):
        q, _idx = _vq_nearest(residual, codebook)
        # straight-through estimator
        q_ste = residual + jax.lax.stop_gradient(q - residual)
        quantized_out = quantized_out + q_ste
        residual = residual - jax.lax.stop_gradient(q)
    # decoder
    x_recon = jnp.einsum('btz,dz->btd', quantized_out, dec_W) + dec_b
    return x_recon

if __name__ == "__main__":
    import jax
    _d = setup_inputs()
    print(jax.jit(kernel)(*tuple(_d.values())))

</pallas_src>

<mosaic_0001>
#map = affine_map<(d0, d1) -> (0, 0)>
#map1 = affine_map<(d0, d1) -> (0)>
module attributes {stable_mosaic.version = 14 : i64} {
  func.func @gather_rows(%arg0: i32, %arg1: i32, %arg2: memref<16384x512xf32, #tpu.memory_space<hbm>>, %arg3: memref<2048xi32, #tpu.memory_space<hbm>>, %arg4: memref<2048x512xf32, #tpu.memory_space<hbm>>, %arg5: memref<64xi32, #tpu.memory_space<vmem>>, %arg6: memref<64x512xf32, #tpu.memory_space<vmem>>, %arg7: memref<!tpu.dma_semaphore, #tpu.memory_space<semaphore_mem>>) attributes {dimension_semantics = [#tpu.dimension_semantics<core_parallel>, #tpu.dimension_semantics<subcore_parallel>], iteration_bounds = array<i64: 2, 16>, scalar_prefetch = 0 : i64, scratch_operands = 3 : i64, tpu.core_type = #tpu.core_type<sc_vector_subcore>, window_params = [{transform_indices = #map}, {transform_indices = #map1}, {transform_indices = #map}]} {
    %mul3A = arith.constant 2 : i32
    %mul3A_0 = arith.muli %arg1, %mul3A : i32
    %add3A = arith.addi %mul3A_0, %arg0 : i32
    %mul3A_1 = arith.constant 64 : i32
    %mul3A_2 = arith.muli %add3A, %mul3A_1 : i32
    "tpu.region"() ({
      %run_scoped3A = tpu.sem_alloc : memref<!tpu.dma_semaphore, #tpu.memory_space<semaphore_mem>>
      %dma_start3A_7 = tpu.memref_slice %arg3[%mul3A_2] : memref<2048xi32, #tpu.memory_space<hbm>> -> memref<64xi32, #tpu.memory_space<hbm>>
      %dma_start3A_8 = tpu.memref_slice %arg3[%mul3A_2] : memref<2048xi32, #tpu.memory_space<hbm>> -> memref<64xi32, #tpu.memory_space<hbm>>
      tpu.enqueue_dma source(%dma_start3A_8 : memref<64xi32, #tpu.memory_space<hbm>>) target(%arg5 : memref<64xi32, #tpu.memory_space<vmem>>) target_semaphore(%run_scoped3A : memref<!tpu.dma_semaphore, #tpu.memory_space<semaphore_mem>>)
      %dma_wait3A_9 = tpu.memref_slice %arg3[%mul3A_2] : memref<2048xi32, #tpu.memory_space<hbm>> -> memref<64xi32, #tpu.memory_space<hbm>>
      %dma_wait3A_10 = tpu.memref_slice %arg3[%mul3A_2] : memref<2048xi32, #tpu.memory_space<hbm>> -> memref<64xi32, #tpu.memory_space<hbm>>
      tpu.wait_dma2 semaphore(%run_scoped3A : memref<!tpu.dma_semaphore, #tpu.memory_space<semaphore_mem>>) src(%dma_wait3A_10 : memref<64xi32, #tpu.memory_space<hbm>>) dst(%arg5 : memref<64xi32, #tpu.memory_space<vmem>>)
      tpu.yield
    }) : () -> ()
    %dma_start3A = arith.constant 0 : i32
    %dma_start3A_3 = arith.constant 0 : i32
    %dma_start3A_4 = tpu.memref_slice %arg2[%dma_start3A, %dma_start3A_3] : memref<16384x512xf32, #tpu.memory_space<hbm>> -> memref<16384x512xf32, #tpu.memory_space<hbm>>
    tpu.enqueue_indirect_dma source(%dma_start3A_4 : memref<16384x512xf32, #tpu.memory_space<hbm>>) target(%arg6 : memref<64x512xf32, #tpu.memory_space<vmem>>) offsets(%arg5 : memref<64xi32, #tpu.memory_space<vmem>>) semaphore(%arg7 : memref<!tpu.dma_semaphore, #tpu.memory_space<semaphore_mem>>)
    %dma_wait3A = arith.constant 0 : i32
    %dma_wait3A_5 = arith.constant 0 : i32
    %dma_wait3A_6 = tpu.memref_slice %arg2[%dma_wait3A, %dma_wait3A_5] : memref<16384x512xf32, #tpu.memory_space<hbm>> -> memref<16384x512xf32, #tpu.memory_space<hbm>>
    tpu.wait_indirect_dma semaphore(%arg7 : memref<!tpu.dma_semaphore, #tpu.memory_space<semaphore_mem>>) src(%dma_wait3A_6 : memref<16384x512xf32, #tpu.memory_space<hbm>>) dst(%arg6 : memref<64x512xf32, #tpu.memory_space<vmem>>)
    "tpu.region"() ({
      %run_scoped3A = tpu.sem_alloc : memref<!tpu.dma_semaphore, #tpu.memory_space<semaphore_mem>>
      %dma_start3A_7 = arith.constant 0 : i32
      %dma_start3A_8 = tpu.memref_slice %arg4[%mul3A_2, %dma_start3A_7] : memref<2048x512xf32, #tpu.memory_space<hbm>> -> memref<64x512xf32, #tpu.memory_space<hbm>>
      %dma_start3A_9 = arith.constant 0 : i32
      %dma_start3A_10 = tpu.memref_slice %arg4[%mul3A_2, %dma_start3A_9] : memref<2048x512xf32, #tpu.memory_space<hbm>> -> memref<64x512xf32, #tpu.memory_space<hbm>>
      tpu.enqueue_dma source(%arg6 : memref<64x512xf32, #tpu.memory_space<vmem>>) target(%dma_start3A_10 : memref<64x512xf32, #tpu.memory_space<hbm>>) target_semaphore(%run_scoped3A : memref<!tpu.dma_semaphore, #tpu.memory_space<semaphore_mem>>)
      %dma_wait3A_11 = arith.constant 0 : i32
      %dma_wait3A_12 = tpu.memref_slice %arg4[%mul3A_2, %dma_wait3A_11] : memref<2048x512xf32, #tpu.memory_space<hbm>> -> memref<64x512xf32, #tpu.memory_space<hbm>>
      %dma_wait3A_13 = arith.constant 0 : i32
      %dma_wait3A_14 = tpu.memref_slice %arg4[%mul3A_2, %dma_wait3A_13] : memref<2048x512xf32, #tpu.memory_space<hbm>> -> memref<64x512xf32, #tpu.memory_space<hbm>>
      tpu.wait_dma2 semaphore(%run_scoped3A : memref<!tpu.dma_semaphore, #tpu.memory_space<semaphore_mem>>) src(%arg6 : memref<64x512xf32, #tpu.memory_space<vmem>>) dst(%dma_wait3A_14 : memref<64x512xf32, #tpu.memory_space<hbm>>)
      tpu.yield
    }) : () -> ()
    return
  }
}

#map = affine_map<(d0, d1) -> (0, 0)>
#map1 = affine_map<(d0, d1) -> (0)>
module attributes {stable_mosaic.version = 14 : i64} {
  func.func @gather_rows(%arg0: i32, %arg1: i32, %arg2: memref<16384x512xf32, #tpu.memory_space<hbm>>, %arg3: memref<2048xi32, #tpu.memory_space<hbm>>, %arg4: memref<2048x512xf32, #tpu.memory_space<hbm>>, %arg5: memref<64xi32, #tpu.memory_space<vmem>>, %arg6: memref<64x512xf32, #tpu.memory_space<vmem>>, %arg7: memref<!tpu.dma_semaphore, #tpu.memory_space<semaphore_mem>>) attributes {dimension_semantics = [#tpu.dimension_semantics<core_parallel>, #tpu.dimension_semantics<subcore_parallel>], iteration_bounds = array<i64: 2, 16>, scalar_prefetch = 0 : i64, scratch_operands = 3 : i64, tpu.core_type = #tpu.core_type<sc_vector_subcore>, window_params = [{transform_indices = #map}, {transform_indices = #map1}, {transform_indices = #map}]} {
    %mul3A = arith.constant 2 : i32
    %mul3A_0 = arith.muli %arg1, %mul3A : i32
    %add3A = arith.addi %mul3A_0, %arg0 : i32
    %mul3A_1 = arith.constant 64 : i32
    %mul3A_2 = arith.muli %add3A, %mul3A_1 : i32
    "tpu.region"() ({
      %run_scoped3A = tpu.sem_alloc : memref<!tpu.dma_semaphore, #tpu.memory_space<semaphore_mem>>
      %dma_start3A_7 = tpu.memref_slice %arg3[%mul3A_2] : memref<2048xi32, #tpu.memory_space<hbm>> -> memref<64xi32, #tpu.memory_space<hbm>>
      %dma_start3A_8 = tpu.memref_slice %arg3[%mul3A_2] : memref<2048xi32, #tpu.memory_space<hbm>> -> memref<64xi32, #tpu.memory_space<hbm>>
      tpu.enqueue_dma source(%dma_start3A_8 : memref<64xi32, #tpu.memory_space<hbm>>) target(%arg5 : memref<64xi32, #tpu.memory_space<vmem>>) target_semaphore(%run_scoped3A : memref<!tpu.dma_semaphore, #tpu.memory_space<semaphore_mem>>)
      %dma_wait3A_9 = tpu.memref_slice %arg3[%mul3A_2] : memref<2048xi32, #tpu.memory_space<hbm>> -> memref<64xi32, #tpu.memory_space<hbm>>
      %dma_wait3A_10 = tpu.memref_slice %arg3[%mul3A_2] : memref<2048xi32, #tpu.memory_space<hbm>> -> memref<64xi32, #tpu.memory_space<hbm>>
      tpu.wait_dma2 semaphore(%run_scoped3A : memref<!tpu.dma_semaphore, #tpu.memory_space<semaphore_mem>>) src(%dma_wait3A_10 : memref<64xi32, #tpu.memory_space<hbm>>) dst(%arg5 : memref<64xi32, #tpu.memory_space<vmem>>)
      tpu.yield
    }) : () -> ()
    %dma_start3A = arith.constant 0 : i32
    %dma_start3A_3 = arith.constant 0 : i32
    %dma_start3A_4 = tpu.memref_slice %arg2[%dma_start3A, %dma_start3A_3] : memref<16384x512xf32, #tpu.memory_space<hbm>> -> memref<16384x512xf32, #tpu.memory_space<hbm>>
    tpu.enqueue_indirect_dma source(%dma_start3A_4 : memref<16384x512xf32, #tpu.memory_space<hbm>>) target(%arg6 : memref<64x512xf32, #tpu.memory_space<vmem>>) offsets(%arg5 : memref<64xi32, #tpu.memory_space<vmem>>) semaphore(%arg7 : memref<!tpu.dma_semaphore, #tpu.memory_space<semaphore_mem>>)
    %dma_wait3A = arith.constant 0 : i32
    %dma_wait3A_5 = arith.constant 0 : i32
    %dma_wait3A_6 = tpu.memref_slice %arg2[%dma_wait3A, %dma_wait3A_5] : memref<16384x512xf32, #tpu.memory_space<hbm>> -> memref<16384x512xf32, #tpu.memory_space<hbm>>
    tpu.wait_indirect_dma semaphore(%arg7 : memref<!tpu.dma_semaphore, #tpu.memory_space<semaphore_mem>>) src(%dma_wait3A_6 : memref<16384x512xf32, #tpu.memory_space<hbm>>) dst(%arg6 : memref<64x512xf32, #tpu.memory_space<vmem>>)
    "tpu.region"() ({
      %run_scoped3A = tpu.sem_alloc : memref<!tpu.dma_semaphore, #tpu.memory_space<semaphore_mem>>
      %dma_start3A_7 = arith.constant 0 : i32
      %dma_start3A_8 = tpu.memref_slice %arg4[%mul3A_2, %dma_start3A_7] : memref<2048x512xf32, #tpu.memory_space<hbm>> -> memref<64x512xf32, #tpu.memory_space<hbm>>
      %dma_start3A_9 = arith.constant 0 : i32
      %dma_start3A_10 = tpu.memref_slice %arg4[%mul3A_2, %dma_start3A_9] : memref<2048x512xf32, #tpu.memory_space<hbm>> -> memref<64x512xf32, #tpu.memory_space<hbm>>
      tpu.enqueue_dma source(%arg6 : memref<64x512xf32, #tpu.memory_space<vmem>>) target(%dma_start3A_10 : memref<64x512xf32, #tpu.memory_space<hbm>>) target_semaphore(%run_scoped3A : memref<!tpu.dma_semaphore, #tpu.memory_space<semaphore_mem>>)
      %dma_wait3A_11 = arith.constant 0 : i32
      %dma_wait3A_12 = tpu.memref_slice %arg4[%mul3A_2, %dma_wait3A_11] : memref<2048x512xf32, #tpu.memory_space<hbm>> -> memref<64x512xf32, #tpu.memory_space<hbm>>
      %dma_wait3A_13 = arith.constant 0 : i32
      %dma_wait3A_14 = tpu.memref_slice %arg4[%mul3A_2, %dma_wait3A_13] : memref<2048x512xf32, #tpu.memory_space<hbm>> -> memref<64x512xf32, #tpu.memory_space<hbm>>
      tpu.wait_dma2 semaphore(%run_scoped3A : memref<!tpu.dma_semaphore, #tpu.memory_space<semaphore_mem>>) src(%arg6 : memref<64x512xf32, #tpu.memory_space<vmem>>) dst(%dma_wait3A_14 : memref<64x512xf32, #tpu.memory_space<hbm>>)
      tpu.yield
    }) : () -> ()
    return
  }
}

module attributes {stable_mosaic.version = 14 : i64} {
  func.func @_vq_body(%arg0: i32, %arg1: memref<2048x512xf32, #tpu.memory_space<vmem>>, %arg2: memref<1024x512xf32, #tpu.memory_space<vmem>>, %arg3: memref<2048x1xi32, #tpu.memory_space<vmem>>, %arg4: memref<2048x1xf32, #tpu.memory_space<vmem>>, %arg5: memref<2048x1xi32, #tpu.memory_space<vmem>>) attributes {dimension_semantics = [#tpu.dimension_semantics<arbitrary>], iteration_bounds = array<i64: 16>, scalar_prefetch = 0 : i64, scratch_operands = 2 : i64, tpu.core_type = #tpu.core_type<tc>, window_params = [{pipeline_mode = #tpu.pipeline_mode<synchronous>, transform_indices = @transform_0, window_bounds = array<i64: 2048, 512>}, {transform_indices = @transform_1, window_bounds = array<i64: 1024, 512>}, {pipeline_mode = #tpu.pipeline_mode<synchronous>, transform_indices = @transform_2, window_bounds = array<i64: 2048, 1>}]} {
    %get3A = arith.constant 0 : index
    %get3A_0 = arith.constant 0 : index
    %get3A_1 = vector.load %arg1[%get3A, %get3A_0] : memref<2048x512xf32, #tpu.memory_space<vmem>>, vector<2048x512xf32>
    %get3A_2 = arith.constant 0 : index
    %get3A_3 = arith.constant 0 : index
    %get3A_4 = vector.load %arg2[%get3A_2, %get3A_3] : memref<1024x512xf32, #tpu.memory_space<vmem>>, vector<1024x512xf32>
    %mul3A = arith.mulf %get3A_1, %get3A_1 : vector<2048x512xf32>
    %reduce_sum3A = arith.constant dense<0.000000e+00> : vector<2048xf32>
    %reduce_sum3A_5 = vector.multi_reduction <add>, %mul3A, %reduce_sum3A [1] : vector<2048x512xf32> to vector<2048xf32>
    %broadcast_in_dim3A = vector.shape_cast %reduce_sum3A_5 : vector<2048xf32> to vector<2048x1xf32>
    %mul3A_6 = arith.mulf %get3A_4, %get3A_4 : vector<1024x512xf32>
    %reduce_sum3A_7 = arith.constant dense<0.000000e+00> : vector<1024xf32>
    %reduce_sum3A_8 = vector.multi_reduction <add>, %mul3A_6, %reduce_sum3A_7 [1] : vector<1024x512xf32> to vector<1024xf32>
    %convert_element_type3A = arith.truncf %get3A_1 : vector<2048x512xf32> to vector<2048x512xbf16>
    %convert_element_type3A_9 = arith.truncf %get3A_4 : vector<1024x512xf32> to vector<1024x512xbf16>
    %dot_general3A = arith.constant dense<0.000000e+00> : vector<2048x1024xf32>
    %dot_general3A_10 = tpu.matmul %convert_element_type3A, %convert_element_type3A_9, %dot_general3A {dimension_numbers = #tpu.dot_dimension_numbers<[1], [1], [0], [0], [0, 0, 1, 0], [], []>, transpose_lhs_hint = false} : vector<2048x512xbf16>, vector<1024x512xbf16>, vector<2048x1024xf32> -> vector<2048x1024xf32>
    %mul3A_11 = arith.constant 2.000000e+00 : f32
    %mul3A_12 = vector.broadcast %mul3A_11 : f32 to vector<2048x1024xf32>
    %mul3A_13 = arith.mulf %mul3A_12, %dot_general3A_10 : vector<2048x1024xf32>
    %sub3A = vector.broadcast %broadcast_in_dim3A : vector<2048x1xf32> to vector<2048x1024xf32>
    %sub3A_14 = arith.subf %sub3A, %mul3A_13 : vector<2048x1024xf32>
    %broadcast_in_dim3A_15 = vector.shape_cast %reduce_sum3A_8 : vector<1024xf32> to vector<1x1024xf32>
    %add3A = vector.broadcast %broadcast_in_dim3A_15 : vector<1x1024xf32> to vector<2048x1024xf32>
    %add3A_16 = arith.addf %sub3A_14, %add3A : vector<2048x1024xf32>
    %reduce_min3A = arith.constant dense<0x7F800000> : vector<2048xf32>
    %reduce_min3A_17 = vector.multi_reduction <minimumf>, %add3A_16, %reduce_min3A [1] : vector<2048x1024xf32> to vector<2048xf32>
    %broadcast_in_dim3A_18 = vector.shape_cast %reduce_min3A_17 : vector<2048xf32> to vector<2048x1xf32>
    %iota3A = tpu.iota {dimensions = array<i32: 1>} : vector<2048x1024xi32>
    %eq3A = vector.broadcast %broadcast_in_dim3A_18 : vector<2048x1xf32> to vector<2048x1024xf32>
    %eq3A_19 = arith.cmpf oeq, %add3A_16, %eq3A : vector<2048x1024xf32>
    %jit3A = arith.constant 1024 : i32
    %broadcast_in_dim3A_20 = vector.broadcast %jit3A : i32 to vector<2048x1024xi32>
    %select_n3A = arith.select %eq3A_19, %iota3A, %broadcast_in_dim3A_20 : vector<2048x1024xi1>, vector<2048x1024xi32>
    %reduce_min3A_21 = arith.constant dense<2147483647> : vector<2048xi32>
    %reduce_min3A_22 = vector.multi_reduction <minsi>, %select_n3A, %reduce_min3A_21 [1] : vector<2048x1024xi32> to vector<2048xi32>
    %broadcast_in_dim3A_23 = vector.shape_cast %reduce_min3A_22 : vector<2048xi32> to vector<2048x1xi32>
    %mul3A_24 = arith.constant 1024 : i32
    %mul3A_25 = arith.muli %arg0, %mul3A_24 : i32
    %add3A_26 = vector.broadcast %mul3A_25 : i32 to vector<2048x1xi32>
    %add3A_27 = arith.addi %broadcast_in_dim3A_23, %add3A_26 : vector<2048x1xi32>
    %eq3A_28 = arith.constant 0 : i32
    %eq3A_29 = arith.cmpi eq, %arg0, %eq3A_28 : i32
    %convert_element_type3A_30 = arith.extui %eq3A_29 : i1 to i32
    %cond3A = arith.constant 0 : i32
    %cond3A_31 = arith.cmpi ne, %convert_element_type3A_30, %cond3A : i32
    scf.if %cond3A_31 {
      %swap3A = arith.constant 0 : index
      %swap3A_41 = arith.constant 0 : index
      %swap3A_42 = vector.load %arg4[%swap3A, %swap3A_41] : memref<2048x1xf32, #tpu.memory_space<vmem>>, vector<2048x1xf32>
      tpu.vector_store %arg4[%swap3A, %swap3A_41], %broadcast_in_dim3A_18 {strides = array<i32>} : memref<2048x1xf32, #tpu.memory_space<vmem>>, vector<2048x1xf32>,
      %swap3A_43 = arith.constant 0 : index
      %swap3A_44 = arith.constant 0 : index
      %swap3A_45 = vector.load %arg5[%swap3A_43, %swap3A_44] : memref<2048x1xi32, #tpu.memory_space<vmem>>, vector<2048x1xi32>
      tpu.vector_store %arg5[%swap3A_43, %swap3A_44], %add3A_27 {strides = array<i32>} : memref<2048x1xi32, #tpu.memory_space<vmem>>, vector<2048x1xi32>,
    } else {
    }
    %gt3A = arith.constant 0 : i32
    %gt3A_32 = arith.cmpi sgt, %arg0, %gt3A : i32
    %convert_element_type3A_33 = arith.extui %gt3A_32 : i1 to i32
    %cond3A_34 = arith.constant 0 : i32
    %cond3A_35 = arith.cmpi ne, %convert_element_type3A_33, %cond3A_34 : i32
    scf.if %cond3A_35 {
      %get3A_41 = arith.constant 0 : index
      %get3A_42 = arith.constant 0 : index
      %get3A_43 = vector.load %arg4[%get3A_41, %get3A_42] : memref<2048x1xf32, #tpu.memory_space<vmem>>, vector<2048x1xf32>
      %lt3A = arith.cmpf olt, %broadcast_in_dim3A_18, %get3A_43 : vector<2048x1xf32>
      %get3A_44 = arith.constant 0 : index
      %get3A_45 = arith.constant 0 : index
      %get3A_46 = vector.load %arg5[%get3A_44, %get3A_45] : memref<2048x1xi32, #tpu.memory_space<vmem>>, vector<2048x1xi32>
      %select_n3A_47 = arith.select %lt3A, %add3A_27, %get3A_46 : vector<2048x1xi1>, vector<2048x1xi32>
      %swap3A = arith.constant 0 : index
      %swap3A_48 = arith.constant 0 : index
      %swap3A_49 = vector.load %arg5[%swap3A, %swap3A_48] : memref<2048x1xi32, #tpu.memory_space<vmem>>, vector<2048x1xi32>
      tpu.vector_store %arg5[%swap3A, %swap3A_48], %select_n3A_47 {strides = array<i32>} : memref<2048x1xi32, #tpu.memory_space<vmem>>, vector<2048x1xi32>,
      %get3A_50 = arith.constant 0 : index
      %get3A_51 = arith.constant 0 : index
      %get3A_52 = vector.load %arg4[%get3A_50, %get3A_51] : memref<2048x1xf32, #tpu.memory_space<vmem>>, vector<2048x1xf32>
      %select_n3A_53 = arith.select %lt3A, %broadcast_in_dim3A_18, %get3A_52 : vector<2048x1xi1>, vector<2048x1xf32>
      %swap3A_54 = arith.constant 0 : index
      %swap3A_55 = arith.constant 0 : index
      %swap3A_56 = vector.load %arg4[%swap3A_54, %swap3A_55] : memref<2048x1xf32, #tpu.memory_space<vmem>>, vector<2048x1xf32>
      tpu.vector_store %arg4[%swap3A_54, %swap3A_55], %select_n3A_53 {strides = array<i32>} : memref<2048x1xf32, #tpu.memory_space<vmem>>, vector<2048x1xf32>,
    } else {
    }
    %eq3A_36 = arith.constant 15 : i32
    %eq3A_37 = arith.cmpi eq, %arg0, %eq3A_36 : i32
    %convert_element_type3A_38 = arith.extui %eq3A_37 : i1 to i32
    %cond3A_39 = arith.constant 0 : i32
    %cond3A_40 = arith.cmpi ne, %convert_element_type3A_38, %cond3A_39 : i32
    scf.if %cond3A_40 {
      %get3A_41 = arith.constant 0 : index
      %get3A_42 = arith.constant 0 : index
      %get3A_43 = vector.load %arg5[%get3A_41, %get3A_42] : memref<2048x1xi32, #tpu.memory_space<vmem>>, vector<2048x1xi32>
      %swap3A = arith.constant 0 : index
      %swap3A_44 = arith.constant 0 : index
      %swap3A_45 = vector.load %arg3[%swap3A, %swap3A_44] : memref<2048x1xi32, #tpu.memory_space<vmem>>, vector<2048x1xi32>
      tpu.vector_store %arg3[%swap3A, %swap3A_44], %get3A_43 {strides = array<i32>} : memref<2048x1xi32, #tpu.memory_space<vmem>>, vector<2048x1xi32>,
    } else {
    }
    return
  }
  func.func @transform_0(%arg0: i32) -> (i32, i32) {
    %c0_i32 = arith.constant 0 : i32
    %c0_i32_0 = arith.constant 0 : i32
    %c0_i32_1 = arith.constant 0 : i32
    return %c0_i32, %c0_i32_0 : i32, i32
  }
  func.func @transform_1(%arg0: i32) -> (i32, i32) {
    %c0_i32 = arith.constant 0 : i32
    %c0_i32_0 = arith.constant 0 : i32
    return %arg0, %c0_i32 : i32, i32
  }
  func.func @transform_2(%arg0: i32) -> (i32, i32) {
    %c0_i32 = arith.constant 0 : i32
    %c0_i32_0 = arith.constant 0 : i32
    %c0_i32_1 = arith.constant 0 : i32
    return %c0_i32, %c0_i32_0 : i32, i32
  }
}

module attributes {stable_mosaic.version = 14 : i64} {
  func.func @_encode_body(%arg0: memref<2048x512xf32, #tpu.memory_space<vmem>>, %arg1: memref<512x512xf32, #tpu.memory_space<vmem>>, %arg2: memref<1x512xf32, #tpu.memory_space<vmem>>, %arg3: memref<2048x512xf32, #tpu.memory_space<vmem>>) attributes {dimension_semantics = [], scalar_prefetch = 0 : i64, scratch_operands = 0 : i64, tpu.core_type = #tpu.core_type<tc>} {
    %get3A = arith.constant 0 : index
    %get3A_0 = arith.constant 0 : index
    %get3A_1 = vector.load %arg0[%get3A, %get3A_0] : memref<2048x512xf32, #tpu.memory_space<vmem>>, vector<2048x512xf32>
    %get3A_2 = arith.constant 0 : index
    %get3A_3 = arith.constant 0 : index
    %get3A_4 = vector.load %arg1[%get3A_2, %get3A_3] : memref<512x512xf32, #tpu.memory_space<vmem>>, vector<512x512xf32>
    %convert_element_type3A = arith.truncf %get3A_1 : vector<2048x512xf32> to vector<2048x512xbf16>
    %convert_element_type3A_5 = arith.truncf %get3A_4 : vector<512x512xf32> to vector<512x512xbf16>
    %dot_general3A = arith.constant dense<0.000000e+00> : vector<2048x512xf32>
    %dot_general3A_6 = tpu.matmul %convert_element_type3A, %convert_element_type3A_5, %dot_general3A {dimension_numbers = #tpu.dot_dimension_numbers<[1], [1], [0], [0], [0, 0, 1, 0], [], []>, transpose_lhs_hint = false} : vector<2048x512xbf16>, vector<512x512xbf16>, vector<2048x512xf32> -> vector<2048x512xf32>
    %get3A_7 = arith.constant 0 : index
    %get3A_8 = arith.constant 0 : index
    %get3A_9 = vector.load %arg2[%get3A_7, %get3A_8] : memref<1x512xf32, #tpu.memory_space<vmem>>, vector<1x512xf32>
    %add3A = vector.broadcast %get3A_9 : vector<1x512xf32> to vector<2048x512xf32>
    %add3A_10 = arith.addf %dot_general3A_6, %add3A : vector<2048x512xf32>
    %swap3A = arith.constant 0 : index
    %swap3A_11 = arith.constant 0 : index
    %swap3A_12 = vector.load %arg3[%swap3A, %swap3A_11] : memref<2048x512xf32, #tpu.memory_space<vmem>>, vector<2048x512xf32>
    tpu.vector_store %arg3[%swap3A, %swap3A_11], %add3A_10 {strides = array<i32>} : memref<2048x512xf32, #tpu.memory_space<vmem>>, vector<2048x512xf32>,
    return
  }
}

module attributes {stable_mosaic.version = 14 : i64} {
  func.func @_vq_body(%arg0: i32, %arg1: memref<2048x512xf32, #tpu.memory_space<vmem>>, %arg2: memref<2048x512xf32, #tpu.memory_space<vmem>>, %arg3: memref<1024x512xf32, #tpu.memory_space<vmem>>, %arg4: memref<2048x1xi32, #tpu.memory_space<vmem>>, %arg5: memref<2048x1xf32, #tpu.memory_space<vmem>>, %arg6: memref<2048x1xi32, #tpu.memory_space<vmem>>) attributes {dimension_semantics = [#tpu.dimension_semantics<arbitrary>], iteration_bounds = array<i64: 16>, scalar_prefetch = 0 : i64, scratch_operands = 2 : i64, tpu.core_type = #tpu.core_type<tc>, window_params = [{pipeline_mode = #tpu.pipeline_mode<synchronous>, transform_indices = @transform_0, window_bounds = array<i64: 2048, 512>}, {pipeline_mode = #tpu.pipeline_mode<synchronous>, transform_indices = @transform_1, window_bounds = array<i64: 2048, 512>}, {transform_indices = @transform_2, window_bounds = array<i64: 1024, 512>}, {pipeline_mode = #tpu.pipeline_mode<synchronous>, transform_indices = @transform_3, window_bounds = array<i64: 2048, 1>}]} {
    %get3A = arith.constant 0 : index
    %get3A_0 = arith.constant 0 : index
    %get3A_1 = vector.load %arg1[%get3A, %get3A_0] : memref<2048x512xf32, #tpu.memory_space<vmem>>, vector<2048x512xf32>
    %get3A_2 = arith.constant 0 : index
    %get3A_3 = arith.constant 0 : index
    %get3A_4 = vector.load %arg2[%get3A_2, %get3A_3] : memref<2048x512xf32, #tpu.memory_space<vmem>>, vector<2048x512xf32>
    %sub3A = arith.subf %get3A_1, %get3A_4 : vector<2048x512xf32>
    %get3A_5 = arith.constant 0 : index
    %get3A_6 = arith.constant 0 : index
    %get3A_7 = vector.load %arg3[%get3A_5, %get3A_6] : memref<1024x512xf32, #tpu.memory_space<vmem>>, vector<1024x512xf32>
    %mul3A = arith.mulf %sub3A, %sub3A : vector<2048x512xf32>
    %reduce_sum3A = arith.constant dense<0.000000e+00> : vector<2048xf32>
    %reduce_sum3A_8 = vector.multi_reduction <add>, %mul3A, %reduce_sum3A [1] : vector<2048x512xf32> to vector<2048xf32>
    %broadcast_in_dim3A = vector.shape_cast %reduce_sum3A_8 : vector<2048xf32> to vector<2048x1xf32>
    %mul3A_9 = arith.mulf %get3A_7, %get3A_7 : vector<1024x512xf32>
    %reduce_sum3A_10 = arith.constant dense<0.000000e+00> : vector<1024xf32>
    %reduce_sum3A_11 = vector.multi_reduction <add>, %mul3A_9, %reduce_sum3A_10 [1] : vector<1024x512xf32> to vector<1024xf32>
    %convert_element_type3A = arith.truncf %sub3A : vector<2048x512xf32> to vector<2048x512xbf16>
    %convert_element_type3A_12 = arith.truncf %get3A_7 : vector<1024x512xf32> to vector<1024x512xbf16>
    %dot_general3A = arith.constant dense<0.000000e+00> : vector<2048x1024xf32>
    %dot_general3A_13 = tpu.matmul %convert_element_type3A, %convert_element_type3A_12, %dot_general3A {dimension_numbers = #tpu.dot_dimension_numbers<[1], [1], [0], [0], [0, 0, 1, 0], [], []>, transpose_lhs_hint = false} : vector<2048x512xbf16>, vector<1024x512xbf16>, vector<2048x1024xf32> -> vector<2048x1024xf32>
    %mul3A_14 = arith.constant 2.000000e+00 : f32
    %mul3A_15 = vector.broadcast %mul3A_14 : f32 to vector<2048x1024xf32>
    %mul3A_16 = arith.mulf %mul3A_15, %dot_general3A_13 : vector<2048x1024xf32>
    %sub3A_17 = vector.broadcast %broadcast_in_dim3A : vector<2048x1xf32> to vector<2048x1024xf32>
    %sub3A_18 = arith.subf %sub3A_17, %mul3A_16 : vector<2048x1024xf32>
    %broadcast_in_dim3A_19 = vector.shape_cast %reduce_sum3A_11 : vector<1024xf32> to vector<1x1024xf32>
    %add3A = vector.broadcast %broadcast_in_dim3A_19 : vector<1x1024xf32> to vector<2048x1024xf32>
    %add3A_20 = arith.addf %sub3A_18, %add3A : vector<2048x1024xf32>
    %reduce_min3A = arith.constant dense<0x7F800000> : vector<2048xf32>
    %reduce_min3A_21 = vector.multi_reduction <minimumf>, %add3A_20, %reduce_min3A [1] : vector<2048x1024xf32> to vector<2048xf32>
    %broadcast_in_dim3A_22 = vector.shape_cast %reduce_min3A_21 : vector<2048xf32> to vector<2048x1xf32>
    %iota3A = tpu.iota {dimensions = array<i32: 1>} : vector<2048x1024xi32>
    %eq3A = vector.broadcast %broadcast_in_dim3A_22 : vector<2048x1xf32> to vector<2048x1024xf32>
    %eq3A_23 = arith.cmpf oeq, %add3A_20, %eq3A : vector<2048x1024xf32>
    %jit3A = arith.constant 1024 : i32
    %broadcast_in_dim3A_24 = vector.broadcast %jit3A : i32 to vector<2048x1024xi32>
    %select_n3A = arith.select %eq3A_23, %iota3A, %broadcast_in_dim3A_24 : vector<2048x1024xi1>, vector<2048x1024xi32>
    %reduce_min3A_25 = arith.constant dense<2147483647> : vector<2048xi32>
    %reduce_min3A_26 = vector.multi_reduction <minsi>, %select_n3A, %reduce_min3A_25 [1] : vector<2048x1024xi32> to vector<2048xi32>
    %broadcast_in_dim3A_27 = vector.shape_cast %reduce_min3A_26 : vector<2048xi32> to vector<2048x1xi32>
    %mul3A_28 = arith.constant 1024 : i32
    %mul3A_29 = arith.muli %arg0, %mul3A_28 : i32
    %add3A_30 = vector.broadcast %mul3A_29 : i32 to vector<2048x1xi32>
    %add3A_31 = arith.addi %broadcast_in_dim3A_27, %add3A_30 : vector<2048x1xi32>
    %eq3A_32 = arith.constant 0 : i32
    %eq3A_33 = arith.cmpi eq, %arg0, %eq3A_32 : i32
    %convert_element_type3A_34 = arith.extui %eq3A_33 : i1 to i32
    %cond3A = arith.constant 0 : i32
    %cond3A_35 = arith.cmpi ne, %convert_element_type3A_34, %cond3A : i32
    scf.if %cond3A_35 {
      %swap3A = arith.constant 0 : index
      %swap3A_45 = arith.constant 0 : index
      %swap3A_46 = vector.load %arg5[%swap3A, %swap3A_45] : memref<2048x1xf32, #tpu.memory_space<vmem>>, vector<2048x1xf32>
      tpu.vector_store %arg5[%swap3A, %swap3A_45], %broadcast_in_dim3A_22 {strides = array<i32>} : memref<2048x1xf32, #tpu.memory_space<vmem>>, vector<2048x1xf32>,
      %swap3A_47 = arith.constant 0 : index
      %swap3A_48 = arith.constant 0 : index
      %swap3A_49 = vector.load %arg6[%swap3A_47, %swap3A_48] : memref<2048x1xi32, #tpu.memory_space<vmem>>, vector<2048x1xi32>
      tpu.vector_store %arg6[%swap3A_47, %swap3A_48], %add3A_31 {strides = array<i32>} : memref<2048x1xi32, #tpu.memory_space<vmem>>, vector<2048x1xi32>,
    } else {
    }
    %gt3A = arith.constant 0 : i32
    %gt3A_36 = arith.cmpi sgt, %arg0, %gt3A : i32
    %convert_element_type3A_37 = arith.extui %gt3A_36 : i1 to i32
    %cond3A_38 = arith.constant 0 : i32
    %cond3A_39 = arith.cmpi ne, %convert_element_type3A_37, %cond3A_38 : i32
    scf.if %cond3A_39 {
      %get3A_45 = arith.constant 0 : index
      %get3A_46 = arith.constant 0 : index
      %get3A_47 = vector.load %arg5[%get3A_45, %get3A_46] : memref<2048x1xf32, #tpu.memory_space<vmem>>, vector<2048x1xf32>
      %lt3A = arith.cmpf olt, %broadcast_in_dim3A_22, %get3A_47 : vector<2048x1xf32>
      %get3A_48 = arith.constant 0 : index
      %get3A_49 = arith.constant 0 : index
      %get3A_50 = vector.load %arg6[%get3A_48, %get3A_49] : memref<2048x1xi32, #tpu.memory_space<vmem>>, vector<2048x1xi32>
      %select_n3A_51 = arith.select %lt3A, %add3A_31, %get3A_50 : vector<2048x1xi1>, vector<2048x1xi32>
      %swap3A = arith.constant 0 : index
      %swap3A_52 = arith.constant 0 : index
      %swap3A_53 = vector.load %arg6[%swap3A, %swap3A_52] : memref<2048x1xi32, #tpu.memory_space<vmem>>, vector<2048x1xi32>
      tpu.vector_store %arg6[%swap3A, %swap3A_52], %select_n3A_51 {strides = array<i32>} : memref<2048x1xi32, #tpu.memory_space<vmem>>, vector<2048x1xi32>,
      %get3A_54 = arith.constant 0 : index
      %get3A_55 = arith.constant 0 : index
      %get3A_56 = vector.load %arg5[%get3A_54, %get3A_55] : memref<2048x1xf32, #tpu.memory_space<vmem>>, vector<2048x1xf32>
      %select_n3A_57 = arith.select %lt3A, %broadcast_in_dim3A_22, %get3A_56 : vector<2048x1xi1>, vector<2048x1xf32>
      %swap3A_58 = arith.constant 0 : index
      %swap3A_59 = arith.constant 0 : index
      %swap3A_60 = vector.load %arg5[%swap3A_58, %swap3A_59] : memref<2048x1xf32, #tpu.memory_space<vmem>>, vector<2048x1xf32>
      tpu.vector_store %arg5[%swap3A_58, %swap3A_59], %select_n3A_57 {strides = array<i32>} : memref<2048x1xf32, #tpu.memory_space<vmem>>, vector<2048x1xf32>,
    } else {
    }
    %eq3A_40 = arith.constant 15 : i32
    %eq3A_41 = arith.cmpi eq, %arg0, %eq3A_40 : i32
    %convert_element_type3A_42 = arith.extui %eq3A_41 : i1 to i32
    %cond3A_43 = arith.constant 0 : i32
    %cond3A_44 = arith.cmpi ne, %convert_element_type3A_42, %cond3A_43 : i32
    scf.if %cond3A_44 {
      %get3A_45 = arith.constant 0 : index
      %get3A_46 = arith.constant 0 : index
      %get3A_47 = vector.load %arg6[%get3A_45, %get3A_46] : memref<2048x1xi32, #tpu.memory_space<vmem>>, vector<2048x1xi32>
      %swap3A = arith.constant 0 : index
      %swap3A_48 = arith.constant 0 : index
      %swap3A_49 = vector.load %arg4[%swap3A, %swap3A_48] : memref<2048x1xi32, #tpu.memory_space<vmem>>, vector<2048x1xi32>
      tpu.vector_store %arg4[%swap3A, %swap3A_48], %get3A_47 {strides = array<i32>} : memref<2048x1xi32, #tpu.memory_space<vmem>>, vector<2048x1xi32>,
    } else {
    }
    return
  }
  func.func @transform_0(%arg0: i32) -> (i32, i32) {
    %c0_i32 = arith.constant 0 : i32
    %c0_i32_0 = arith.constant 0 : i32
    %c0_i32_1 = arith.constant 0 : i32
    return %c0_i32, %c0_i32_0 : i32, i32
  }
  func.func @transform_1(%arg0: i32) -> (i32, i32) {
    %c0_i32 = arith.constant 0 : i32
    %c0_i32_0 = arith.constant 0 : i32
    %c0_i32_1 = arith.constant 0 : i32
    return %c0_i32, %c0_i32_0 : i32, i32
  }
  func.func @transform_2(%arg0: i32) -> (i32, i32) {
    %c0_i32 = arith.constant 0 : i32
    %c0_i32_0 = arith.constant 0 : i32
    return %arg0, %c0_i32 : i32, i32
  }
  func.func @transform_3(%arg0: i32) -> (i32, i32) {
    %c0_i32 = arith.constant 0 : i32
    %c0_i32_0 = arith.constant 0 : i32
    %c0_i32_1 = arith.constant 0 : i32
    return %c0_i32, %c0_i32_0 : i32, i32
  }
}

module attributes {stable_mosaic.version = 14 : i64} {
  func.func @_decode_body(%arg0: memref<2048x512xf32, #tpu.memory_space<vmem>>, %arg1: memref<2048x512xf32, #tpu.memory_space<vmem>>, %arg2: memref<2048x512xf32, #tpu.memory_space<vmem>>, %arg3: memref<512x512xf32, #tpu.memory_space<vmem>>, %arg4: memref<1x512xf32, #tpu.memory_space<vmem>>, %arg5: memref<2048x512xf32, #tpu.memory_space<vmem>>) attributes {dimension_semantics = [], scalar_prefetch = 0 : i64, scratch_operands = 0 : i64, tpu.core_type = #tpu.core_type<tc>} {
    %get3A = arith.constant 0 : index
    %get3A_0 = arith.constant 0 : index
    %get3A_1 = vector.load %arg0[%get3A, %get3A_0] : memref<2048x512xf32, #tpu.memory_space<vmem>>, vector<2048x512xf32>
    %get3A_2 = arith.constant 0 : index
    %get3A_3 = arith.constant 0 : index
    %get3A_4 = vector.load %arg1[%get3A_2, %get3A_3] : memref<2048x512xf32, #tpu.memory_space<vmem>>, vector<2048x512xf32>
    %get3A_5 = arith.constant 0 : index
    %get3A_6 = arith.constant 0 : index
    %get3A_7 = vector.load %arg2[%get3A_5, %get3A_6] : memref<2048x512xf32, #tpu.memory_space<vmem>>, vector<2048x512xf32>
    %sub3A = arith.subf %get3A_1, %get3A_4 : vector<2048x512xf32>
    %sub3A_8 = arith.subf %get3A_4, %get3A_1 : vector<2048x512xf32>
    %add3A = arith.addf %get3A_1, %sub3A_8 : vector<2048x512xf32>
    %sub3A_9 = arith.subf %get3A_7, %sub3A : vector<2048x512xf32>
    %add3A_10 = arith.addf %sub3A, %sub3A_9 : vector<2048x512xf32>
    %add3A_11 = arith.addf %add3A, %add3A_10 : vector<2048x512xf32>
    %get3A_12 = arith.constant 0 : index
    %get3A_13 = arith.constant 0 : index
    %get3A_14 = vector.load %arg3[%get3A_12, %get3A_13] : memref<512x512xf32, #tpu.memory_space<vmem>>, vector<512x512xf32>
    %convert_element_type3A = arith.truncf %add3A_11 : vector<2048x512xf32> to vector<2048x512xbf16>
    %convert_element_type3A_15 = arith.truncf %get3A_14 : vector<512x512xf32> to vector<512x512xbf16>
    %dot_general3A = arith.constant dense<0.000000e+00> : vector<2048x512xf32>
    %dot_general3A_16 = tpu.matmul %convert_element_type3A, %convert_element_type3A_15, %dot_general3A {dimension_numbers = #tpu.dot_dimension_numbers<[1], [1], [0], [0], [0, 0, 1, 0], [], []>, transpose_lhs_hint = false} : vector<2048x512xbf16>, vector<512x512xbf16>, vector<2048x512xf32> -> vector<2048x512xf32>
    %get3A_17 = arith.constant 0 : index
    %get3A_18 = arith.constant 0 : index
    %get3A_19 = vector.load %arg4[%get3A_17, %get3A_18] : memref<1x512xf32, #tpu.memory_space<vmem>>, vector<1x512xf32>
    %add3A_20 = vector.broadcast %get3A_19 : vector<1x512xf32> to vector<2048x512xf32>
    %add3A_21 = arith.addf %dot_general3A_16, %add3A_20 : vector<2048x512xf32>
    %swap3A = arith.constant 0 : index
    %swap3A_22 = arith.constant 0 : index
    %swap3A_23 = vector.load %arg5[%swap3A, %swap3A_22] : memref<2048x512xf32, #tpu.memory_space<vmem>>, vector<2048x512xf32>
    tpu.vector_store %arg5[%swap3A, %swap3A_22], %add3A_21 {strides = array<i32>} : memref<2048x512xf32, #tpu.memory_space<vmem>>, vector<2048x512xf32>,
    return
  }
}

</mosaic_0001>

<sc_bundles>
// kernel: kernel.11.cloned.1.call-start
scs
__scs_entry_jumppad:
0x0: {  	(pc) =	sbr.rel $0x88, $3  }
0x1: {  	(tag) =	ssettag $0x0;
	lr =	simm.s32 $0x1  }
0x2: {  	[smem:$0x3F9B] =	sst lr;
	_ =	strace $0xD0000000  }
0x3: {  	_ = 	snop  }
0x4: {  	_ = 	snop  }
0x5: {  	_ = 	snop  }
0x6: {  	_ = 	snop  }
0x7: {  	_ = 	snop  }
__scs_overlays_trampoline_lowered:
0x8: {  	[smem:$0x3FAA] =	sst s0  }
0x9: {  	[smem:$0x3FAB] =	sst s1  }
0xa: {  	[smem:$0x3FAC] =	sst s2  }
0xb: {  	[smem:$0x3FAD] =	sst s3  }
0xc: {  	[smem:$0x3FAE] =	sst s4  }
0xd: {  	[smem:$0x3FAF] =	sst s5  }
0xe: {  	[smem:$0x3FB0] =	sst s6  }
0xf: {  	[smem:$0x3FB1] =	sst s7  }
0x10: {  	[smem:$0x3FB2] =	sst s8  }
0x11: {  	[smem:$0x3FB3] =	sst s9;
	s0 =	simm.s32 @!p0 $0x0  }
0x12: {  	s1 =	sld [smem:$0x3F99];
	s0 =	simm.s32 @p0 $0x1  }
0x13: {  	[smem:$0x3FB4] =	sst s0;
	s0 =	simm.s32 @!p1 $0x0  }
0x14: {  	s2 =	sld [smem:$0x3F98];
	s0 =	simm.s32 @p1 $0x1  }
0x15: {  	[smem:$0x3FB5] =	sst s0;
	s0 =	simm.s32 @!p2 $0x0  }
0x16: {  	s3 =	sld [smem:$0x3FDB];
	s0 =	simm.s32 @p2 $0x1  }
0x17: {  	s4 =	simm.s32 $0x1BF5;
	[smem:$0x3FB7] =	sst s0  }
0x18: {  	s0 =	sld [smem:$0x3F9A];
	_ =	swait.ge [sflag:s4], $0x0  }
0x19: {  	s7 =	sld [smem:$0x3F9B]  }
0x1a: {  	s8 =	sadd.s32 $0xFFFFE003, lr  }
0x1b: {  	s9 =	sadd.s32 $0xFFFFFEF7, lr;
	s5 =	simm.s32 $0xFFFFFFFF;
	p2 =	slt.u32 s8, $0xFFFFF086  }
0x1c: {  	p1 =	slt.u32 s9, $0xF7A;
	s5 =	simm.s32 @!p2 $0x0  }
0x1d: {  	s5 =	simm.s32 @p1 $0x1;
	p0 =	seq.s32 s7, s2  }
0x1e: {  	s7 =	smul.u32 @!p0 $0xF7A, s2;
	p2 =	seq.s32 @!p0 s5, $0x0  }
0x1f: {  	s9 =	smul.u32 $0xF7A, s1;
	s8 =	simm.s32 @!p0 $0x1BF5;
	p2 =	por !p2, p0  }
0x20: {  	[sflag:s8] =	ssyncset.s32 @!p0 $0xFFFFF086;
	s6 =	sadd.s32 @!p0 s3, s7;
	s7 =	simm.s32 @!p0 $0x108  }
0x21: {  	s3 =	sadd.s32 s3, s9;
	s6 =	sadd.s32 @!p0 $0x88, s6;
	s7 =	simm.s32 @p2 $0x1082  }
0x22: {  	[simem:s7], [sflag:s8] =	dma.local @!p0 [hbm:s6], $0xF7A  }
0x23: {  	s9 =	sor.u32 $0xD0000000, s2;
	s6 =	simm.s32 $0x108;
	_ =	swait.ge @!p0 [sflag:s8], $0x0  }
0x24: {  	s3 =	sadd.s32 $0x88, s3;
	s6 =	simm.s32 @!p1 $0x1082;
	[sflag:s4] =	ssyncset.s32 $0xFFFFF086  }
0x25: {  	[simem:s6], [sflag:s4] =	dma.local [hbm:s3], $0xF7A  }
0x26: {  	[smem:$0x3F9B] =	sst s1;
	(tag) =	ssettag s2;
	_ =	strace s9  }
0x27: {  	s1 =	sld [smem:$0x3FAB]  }
0x28: {  	s2 =	sld [smem:$0x3FAC]  }
0x29: {  	s4 =	sld [smem:$0x3FAE]  }
0x2a: {  	p0 =	seq.s32 s5, $0x0;
	s5 =	sld [smem:$0x3FAF]  }
0x2b: {  	s6 =	sld [smem:$0x3FB0]  }
0x2c: {  	s7 =	sld [smem:$0x3FB1]  }
0x2d: {  	s3 =	simm.s32 $0x108;
	s8 =	sld [smem:$0x3FB2]  }
0x2e: {  	s3 =	simm.s32 @!p0 $0x1082;
	s9 =	sld [smem:$0x3FB3]  }
0x2f: {  	lr =	sadd.s32 s0, s3;
	s0 =	sld [smem:$0x3FAA]  }
0x30: {  	s3 =	sld [smem:$0x3FAD]  }
0x31: {  	[smem:$0x3FB6] =	sst s10  }
0x32: {  	s10 =	sld [smem:$0x3FB4];
	_ =	sdelay $0x3  }
0x33: {  	p0 =	seq.s32 s10, $0x1;
	s10 =	sld [smem:$0x3FB6];
	_ =	sdelay $0x3  }
0x34: {  	[smem:$0x3FB6] =	sst s10  }
0x35: {  	s10 =	sld [smem:$0x3FB5];
	_ =	sdelay $0x3  }
0x36: {  	p1 =	seq.s32 s10, $0x1;
	s10 =	sld [smem:$0x3FB6];
	_ =	sdelay $0x3  }
0x37: {  	[smem:$0x3FB6] =	sst s10  }
0x38: {  	s10 =	sld [smem:$0x3FB7]  }
0x39: {  	_ = 	snop;
	(pc) =	sbr.ind lr, $3  }
0x3a: {  	_ = 	snop  }
0x3b: {  	_ = 	snop  }
0x3c: {  	p2 =	seq.s32 s10, $0x1;
	s10 =	sld [smem:$0x3FB6]  }
0x3d: {  	_ =	shalt  }
0x3e: {  	_ =	shalt  }
0x3f: {  	_ =	shalt  }
0x40: {  	_ =	shalt  }
0x41: {  	_ =	shalt  }
0x42: {  	_ =	shalt  }
0x43: {  	_ =	shalt  }
0x44: {  	_ =	shalt  }
0x45: {  	_ =	shalt  }
0x46: {  	_ =	shalt  }
0x47: {  	_ =	shalt  }
0x48: {  	_ =	shalt  }
0x49: {  	_ =	shalt  }
0x4a: {  	_ =	shalt  }
0x4b: {  	_ =	shalt  }
0x4c: {  	_ =	shalt  }
0x4d: {  	_ =	shalt  }
0x4e: {  	_ =	shalt  }
0x4f: {  	_ =	shalt  }
0x50: {  	_ =	shalt  }
0x51: {  	_ =	shalt  }
0x52: {  	_ =	shalt  }
0x53: {  	_ =	shalt  }
0x54: {  	_ =	shalt  }
0x55: {  	_ =	shalt  }
0x56: {  	_ =	shalt  }
0x57: {  	_ =	shalt  }
0x58: {  	_ =	shalt  }
0x59: {  	_ =	shalt  }
0x5a: {  	_ =	shalt  }
0x5b: {  	_ =	shalt  }
0x5c: {  	_ =	shalt  }
0x5d: {  	_ =	shalt  }
0x5e: {  	_ =	shalt  }
0x5f: {  	_ =	shalt  }
0x60: {  	_ =	shalt  }
0x61: {  	_ =	shalt  }
0x62: {  	_ =	shalt  }
0x63: {  	_ =	shalt  }
0x64: {  	_ =	shalt  }
0x65: {  	_ =	shalt  }
0x66: {  	_ =	shalt  }
0x67: {  	_ =	shalt  }
0x68: {  	_ =	shalt  }
0x69: {  	_ =	shalt  }
0x6a: {  	_ =	shalt  }
0x6b: {  	_ =	shalt  }
0x6c: {  	_ =	shalt  }
0x6d: {  	_ =	shalt  }
0x6e: {  	_ =	shalt  }
0x6f: {  	_ =	shalt  }
0x70: {  	_ =	shalt  }
0x71: {  	_ =	shalt  }
0x72: {  	_ =	shalt  }
0x73: {  	_ =	shalt  }
0x74: {  	_ =	shalt  }
0x75: {  	_ =	shalt  }
0x76: {  	_ =	shalt  }
0x77: {  	_ =	shalt  }
0x78: {  	_ =	shalt  }
0x79: {  	_ =	shalt  }
0x7a: {  	_ =	shalt  }
0x7b: {  	_ =	shalt  }
0x7c: {  	_ =	shalt  }
0x7d: {  	_ =	shalt  }
0x7e: {  	_ =	shalt  }
0x7f: {  	_ =	shalt  }
0x80: {  	_ =	shalt  }
0x81: {  	_ =	shalt  }
0x82: {  	_ =	shalt  }
0x83: {  	_ =	shalt  }
0x84: {  	_ =	shalt  }
0x85: {  	_ =	shalt  }
0x86: {  	_ =	shalt  }
0x87: {  	_ =	shalt  }
.Lfunc_end0:
.L_simem_size_0:
called_computation.1_lowered:
.L_overlay_start_0:
0x88: {  	s2 =	sld [smem:$0x3FD9]  }
0x89: {  	s3 =	sld [smem:$0x3FFE];
	_ =	sdelay $0x1  }
0x8a: {  	s1 =	srdreg.scid  }
0x8b: {  	s0 =	sand.u32 $0x1, s1  }
0x8c: {  	s17 =	sshll.u32 s0, $0xA;
	s2 =	sadd.s32 s3, s2  }
0x8d: {  	s2 =	sadd.s32 s2, s17  }
0x8e: {  	[smem:$0x3FC2] =	sst s2  }
0x8f: {  	_ = 	snop  }
0x90: {  	s2 =	sld [smem:$0x3FC6]  }
0x91: {  	s18 =	sld [smem:$0x3FD0];
	(tm) =	ssettm $0x1  }
0x92: {  	s4 =	sld [smem:$0x3FFB];
	_ =	sdelay $0x3  }
0x93: {  	_ =	strace s4  }
0x94: {  	s4 =	sld [smem:$0x3FFC];
	_ =	sdelay $0x3  }
0x95: {  	_ =	strace s4  }
0x96: {  	s4 =	sld [smem:$0x3FFD];
	_ =	sdelay $0x3  }
0x97: {  	_ =	strace s4  }
0x98: {  	_ =	strace $0x8FFFFFFF  }
0x99: {  	s19 =	sld [smem:$0x3FDB];
	_ =	sdelay $0x1  }
0x9a: {  	s5 =	simm.s32 $_scs_section_size  }
0x9b: {  	s6 =	simm.s32 $_size__tile_overlayer_lowered;
	s7 =	simm.s32 $_tile_overlayer_lowered  }
0x9c: {  	s22 =	simm.s32 $0x1BFF;
	s21 =	sshll.u32 s7, $0x1;
	s4 =	sadd.s32 s5, s19  }
0x9d: {  	s8 =	simm.s32 $0x0;
	s20 =	sshll.u32 s6, $0x1;
	s6 =	sadd.s32 s21, s4  }
0x9e: {  	[timem:s8], [sflag:s22] =	dma.local [hbm:s6], s20  }
0x9f: {  	_ =	swait.ge [sflag:s22], s20  }
0xa0: {  	s5 =	ssub.s32 $0x0, s20;
	[sflag:s22] =	ssyncset.done $0x0  }
0xa1: {  	[sflag:s22] =	ssyncadd.s32 s5;
	_ =	sdelay $0x1  }
0xa2: {  	s23 =	simm.s32 $0x1B8B  }
0xa3: {  	_ =	swait.ge [sflag:s23], $0x1  }
0xa4: {  	[sflag:s23] =	ssyncset.done $0x0  }
0xa5: {  	s25 =	simm.s32 $0x1B8E;
	s24 =	sld [smem:$0x3FFE];
	[sflag:s23] =	ssyncadd.s32 $0xFFFFFFFF  }
0xa6: {  	s26 =	simm.s32 $execute0_lowered;
	[smem:$0x3FD2] =	sst s25  }
0xa7: {  	s6 =	sshll.u32 s26, $0x1;
	_ =	strace $0x80000049;
	[dreg:$0x1] =	wrdreg $0xFFFFFFFF  }
0xa8: {  	s28 =	simm.s32 $_size_execute0_lowered;
	s4 =	sadd.s32 s4, s6;
	[dreg:$0x0] =	wrdreg $0x0  }
0xa9: {  	s6 =	sshll.u32 s28, $0x1;
	[dreg:$0x2] =	wrdreg s4  }
0xaa: {  	[dreg:$0x3] =	wrdreg s6  }
0xab: {  	[dreg:$0x4] =	wrdreg $0xC0  }
0xac: {  	_ =	task [dreg:s8], $0x5FFFF  }
0xad: {  	[dreg:$0x1] =	wrdreg $0xFFFFFFFF  }
0xae: {  	[dreg:$0x0] =	wrdreg $0x60  }
0xaf: {  	[dreg:$0x2] =	wrdreg s2  }
0xb0: {  	[dreg:$0x3] =	wrdreg s24  }
0xb1: {  	[dreg:$0x4] =	wrdreg s18  }
0xb2: {  	[dreg:$0x5] =	wrdreg $0x9  }
0xb3: {  	_ =	task.clear_ibuf [dreg:s8], $0x6FFFF;
	_ =	strace $0x90000049  }
0xb4: {  	s29 =	simm.s32 $0x9;
	_ =	strace $0x8000004B  }
0xb5: {  	_ =	swait.ge [sflag:s29], $0x1  }
0xb6: {  	[sflag:s29] =	ssyncadd.s32 $0xFFFFFFFF  }
0xb7: {  	_ =	strace $0x9000004B  }
0xb8: {  	_ =	sfence  }
0xb9: {  	s30 =	sld [smem:$0x0];
	_ =	sdelay $0x2  }
0xba: {  	s31 =	sshll.u32 s1, $0xD;
	s1 =	sshrl.u32 s1, $0x2  }
0xbb: {  	s3 =	sand.u32 $0x4000, s31;
	s1 =	sadd.s32 s1, s30  }
0xbc: {  	s0 =	sor.u32 s3, s0;
	s1 =	sshll.u32 s1, $0x11  }
0xbd: {  	s0 =	sor.u32 s1, s0  }
0xbe: {  	s0 =	sadd.s32 $0x8F2B, s0  }
0xbf: {  	[sflag:s0] =	ssyncadd.remote.s32 $0x1  }
0xc0: {  	_ =	sfence.sel $0xFFFF  }
0xc1: {  	[dreg:$0x0] =	wrdreg $0xFFFFFFFF;
	(pc) =	sbr.abs _section_cstart, $3  }
0xc2: {  	[dreg:$0x1] =	wrdreg $0xFFFFFFFF  }
0xc3: {  	_ =	task.clear_ibuf [dreg:s8], $0x2FFFF;
	_ =	strace $0x9FFFFFFF  }
0xc4: {  	(tm) =	ssettm $0x7FFFFFFF  }
0xc5: {  	_ =	shalt  }
tec
execute0_lowered:
.L_overlay_start_1:
0x0: {  	(tag) =	ssettag $0x1  }
0x1: {  	s1 =	rddreg [dreg:$0x0]  }
0x2: {  	s2 =	srdreg.scid;
	s4 =	rddreg [dreg:$0x1]  }
0x3: {  	s0 =	stileid.u32;
	s6 =	rddreg [dreg:$0x2]  }
0x4: {  	s3 =	simm.s32 $0x0;
	s9 =	simm.s32 $0x80;
	s10 =	simm.s32 $0x880  }
0x5: {  	s11 =	simm.s32 $0x1080;
	s12 =	simm.s32 $0x1880;
	s13 =	simm.s32 $0x2080  }
0x6: {  	s14 =	simm.s32 $0x2880;
	s15 =	simm.s32 $0x3080;
	s16 =	simm.s32 $0x3880  }
0x7: {  	s17 =	simm.s32 $0x4080;
	s18 =	simm.s32 $0x4880;
	s19 =	simm.s32 $0x5080  }
0x8: {  	s20 =	simm.s32 $0x5880;
	s21 =	simm.s32 $0x6080;
	s22 =	simm.s32 $0x6880  }
0x9: {  	s23 =	simm.s32 $0x7080;
	s24 =	simm.s32 $0x7880;
	s5 =	sand.u32 $0x1, s2  }
0xa: {  	s7 =	sshll.u32 s0, $0x7;
	s2 =	rddreg [dreg:$0x3];
	s8 =	sshll.u32 s5, $0x6  }
0xb: {  	s25 =	simm.s32 $0x1;
	[smem:$0x7FF] =	sst s3;
	s7 =	sor.u32 s8, s7  }
0xc: {  	s5 =	ssub.s32 $0x2, s5;
	_ =	strace $0x8000004A;
	s8 =	sshrl.u32 s7, $0x3  }
0xd: {  	v2 =	vlaneseq.u32;
	s31 =	sshrl.u32 s5, $0x1;
	s7 =	sshll.u32 s7, $0x6;
	s4 =	sadd.s32 s8, s4  }
0xe: {  	vm0 =	vmmov $0xffff;
	v1 =	vshrl.u32 v2, $0x3;
	s8 =	ssub.s32 s5, s31;
	s5 =	sadd.s32 $0x100, s1;
	s6 =	sadd.s32 s6, s7  }
0xf: {  	v0 =	vand.u32 $0x7, v2;
	v2 =	vor.u32 $0x8, v2;
	v1 =	vmul.u32 $0x8, v1;
	s4 =	sadd.s32 $0x20E00, s4;
	s7 =	smax.u32 s8, $0x1;
	s8 =	simm.s32 $0x2  }
.LBB2_1:
0x10: {  	[tilespmem:s3], [sflag:$0x2] =	stream.linear.gather [hbm4b:s4+s3], $0x40, $0x38;
	[tilespmem:$0x8080] =	vst v63  }
0x11: {  	_ =	swait.ge [sflag:s8], $0x40  }
0x12: {  	[sflag:s8] =	ssyncset.done $0x0  }
0x13: {  	[sflag:s8] =	ssyncadd.s32 $0xFFFFFFC0  }
0x14: {  	v3 =	vld [tilespmem:$0x0];
	_ =	sdelay $0x4  }
0x15: {  	v4 =	vshll.u32 v3, $0x2  }
0x16: {  	v3 =	vand.u32 $0x7, v3;
	v4 =	vand.u32 $0xFFFFFFE0, v4  }
0x17: {  	v3 =	vor.u32 v3, v4  }
0x18: {  	v4 =	vperm.xlane v3, v0;
	_ =	sdelay $0x1  }
0x19: {  	v4 =	vadd.s32 v1, v4;
	_ =	sdelay $0x1  }
0x1a: {  	v3 =	vperm.xlane v3, v2;
	_ =	sdelay $0x1  }
0x1b: {  	v3 =	vadd.s32 v1, v3  }
0x1c: {  	[tilespmem:s9], [sflag:$0x1] =	stream.indirect_vreg.gather [hbm4b:s1+s3], $0x80, v4, vm0, $0xb8;
	[tilespmem:$0x8080] =	vst v63  }
0x1d: {  	_ = 	snop  }
0x1e: {  	[tilespmem:s10], [sflag:$0x1] =	stream.indirect_vreg.gather [hbm4b:s5+s3], $0x80, v4, vm0, $0xb8;
	[tilespmem:$0x8080] =	vst v63  }
0x1f: {  	_ = 	snop  }
0x20: {  	[tilespmem:s11], [sflag:$0x1] =	stream.indirect_vreg.gather [hbm4b:s1+s3], $0x80, v3, vm0, $0xb8;
	[tilespmem:$0x8080] =	vst v63  }
0x21: {  	_ = 	snop  }
0x22: {  	[tilespmem:s12], [sflag:$0x1] =	stream.indirect_vreg.gather [hbm4b:s5+s3], $0x80, v3, vm0, $0xb8;
	[tilespmem:$0x8080] =	vst v63  }
0x23: {  	v3 =	vld [tilespmem:$0x10];
	_ =	sdelay $0x4  }
0x24: {  	v61 =	vshll.u32 v3, $0x2  }
0x25: {  	v3 =	vand.u32 $0x7, v3;
	v4 =	vand.u32 $0xFFFFFFE0, v61  }
0x26: {  	v3 =	vor.u32 v3, v4  }
0x27: {  	v4 =	vperm.xlane v3, v0;
	_ =	sdelay $0x1  }
0x28: {  	v4 =	vadd.s32 v1, v4;
	_ =	sdelay $0x1  }
0x29: {  	v3 =	vperm.xlane v3, v2;
	_ =	sdelay $0x1  }
0x2a: {  	v3 =	vadd.s32 v1, v3  }
0x2b: {  	[tilespmem:s13], [sflag:$0x1] =	stream.indirect_vreg.gather [hbm4b:s1+s3], $0x80, v4, vm0, $0xb8;
	[tilespmem:$0x8080] =	vst v63  }
0x2c: {  	_ = 	snop  }
0x2d: {  	[tilespmem:s14], [sflag:$0x1] =	stream.indirect_vreg.gather [hbm4b:s5+s3], $0x80, v4, vm0, $0xb8;
	[tilespmem:$0x8080] =	vst v63  }
0x2e: {  	_ = 	snop  }
0x2f: {  	[tilespmem:s15], [sflag:$0x1] =	stream.indirect_vreg.gather [hbm4b:s1+s3], $0x80, v3, vm0, $0xb8;
	[tilespmem:$0x8080] =	vst v63  }
0x30: {  	_ = 	snop  }
0x31: {  	[tilespmem:s16], [sflag:$0x1] =	stream.indirect_vreg.gather [hbm4b:s5+s3], $0x80, v3, vm0, $0xb8;
	[tilespmem:$0x8080] =	vst v63  }
0x32: {  	v3 =	vld [tilespmem:$0x20];
	_ =	sdelay $0x4  }
0x33: {  	v62 =	vshll.u32 v3, $0x2  }
0x34: {  	v3 =	vand.u32 $0x7, v3;
	v4 =	vand.u32 $0xFFFFFFE0, v62  }
0x35: {  	v3 =	vor.u32 v3, v4  }
0x36: {  	v4 =	vperm.xlane v3, v0;
	_ =	sdelay $0x1  }
0x37: {  	v4 =	vadd.s32 v1, v4;
	_ =	sdelay $0x1  }
0x38: {  	v3 =	vperm.xlane v3, v2;
	_ =	sdelay $0x1  }
0x39: {  	v3 =	vadd.s32 v1, v3  }
0x3a: {  	[tilespmem:s17], [sflag:$0x1] =	stream.indirect_vreg.gather [hbm4b:s1+s3], $0x80, v4, vm0, $0xb8;
	[tilespmem:$0x8080] =	vst v63  }
0x3b: {  	_ = 	snop  }
0x3c: {  	[tilespmem:s18], [sflag:$0x1] =	stream.indirect_vreg.gather [hbm4b:s5+s3], $0x80, v4, vm0, $0xb8;
	[tilespmem:$0x8080] =	vst v63  }
0x3d: {  	_ = 	snop  }
0x3e: {  	[tilespmem:s19], [sflag:$0x1] =	stream.indirect_vreg.gather [hbm4b:s1+s3], $0x80, v3, vm0, $0xb8;
	[tilespmem:$0x8080] =	vst v63  }
0x3f: {  	_ = 	snop  }
0x40: {  	[tilespmem:s20], [sflag:$0x1] =	stream.indirect_vreg.gather [hbm4b:s5+s3], $0x80, v3, vm0, $0xb8;
	[tilespmem:$0x8080] =	vst v63  }
0x41: {  	v3 =	vld [tilespmem:$0x30];
	_ =	sdelay $0x4  }
0x42: {  	v63 =	vshll.u32 v3, $0x2  }
0x43: {  	v3 =	vand.u32 $0x7, v3;
	v4 =	vand.u32 $0xFFFFFFE0, v63  }
0x44: {  	v3 =	vor.u32 v3, v4  }
0x45: {  	v4 =	vperm.xlane v3, v0;
	_ =	sdelay $0x1  }
0x46: {  	v4 =	vadd.s32 v1, v4;
	_ =	sdelay $0x1  }
0x47: {  	v3 =	vperm.xlane v3, v2;
	_ =	sdelay $0x1  }
0x48: {  	v3 =	vadd.s32 v1, v3  }
0x49: {  	[tilespmem:s21], [sflag:$0x1] =	stream.indirect_vreg.gather [hbm4b:s1+s3], $0x80, v4, vm0, $0xb8;
	[tilespmem:$0x8080] =	vst v63  }
0x4a: {  	_ = 	snop  }
0x4b: {  	[tilespmem:s22], [sflag:$0x1] =	stream.indirect_vreg.gather [hbm4b:s5+s3], $0x80, v4, vm0, $0xb8;
	[tilespmem:$0x8080] =	vst v63  }
0x4c: {  	_ = 	snop  }
0x4d: {  	[tilespmem:s23], [sflag:$0x1] =	stream.indirect_vreg.gather [hbm4b:s1+s3], $0x80, v3, vm0, $0xb8;
	[tilespmem:$0x8080] =	vst v63  }
0x4e: {  	_ = 	snop  }
0x4f: {  	[tilespmem:s24], [sflag:$0x1] =	stream.indirect_vreg.gather [hbm4b:s5+s3], $0x80, v3, vm0, $0xb8;
	[tilespmem:$0x8080] =	vst v63  }
0x50: {  	_ =	swait.ge [sflag:s25], $0x8000  }
0x51: {  	p0 =	sne.s32 s7, $0x1;
	[sflag:s25] =	ssyncset.done $0x0  }
.Ltmp0:
0x52: {  	[sflag:s25] =	ssyncadd.s32 $0xFFFF8000;
	(pc) =	sbr.rel @p0 .LBB2_1-.Ltmp0, $4  }
0x53: {  	[hbm4b:s6+s3] =	stream.linear.scatter [tilespmem:s9], [sflag:$0x2], $0x8000, $0x38;
	[tilespmem:$0x8080] =	vst v63  }
0x54: {  	_ =	swait.ge [sflag:s8], $0x8000  }
0x55: {  	[sflag:s8] =	ssyncset.done $0x0  }
0x56: {  	s7 =	sadd.s32 $0xFFFFFFFF, s7;
	[sflag:s8] =	ssyncadd.s32 $0xFFFF8000  }
0x57: {  	_ =	sfence.sel $0x180000  }
0x58: {  	[bflag:$0x0] =	sbarrier.arrive $0xFFFF  }
0x59: {  	p0 =	sne.s32 s0, $0x0;
	_ =	strace $0x9000004A  }
0x5a: {  	s0 =	sadd.s32 @!p0 $0x100000, s2;
	[bflag:$0x2] =	sbarrier.arrive $0xFFFF  }
0x5b: {  	[sflag:s0] =	ssyncadd.tile.s32 @!p0 $0x1;
	_ =	shalt  }
.Lfunc_end2:
_tile_overlayer_lowered:
.L_overlay_start_2:
0x5c: {  	(tag) =	ssettag $0x2  }
0x5d: {  	s0 =	rddreg [dreg:$0x0];
	s2 =	stileid.u32  }
0x5e: {  	s1 =	rddreg [dreg:$0x1];
	p0 =	sne.s32 s2, $0x0  }
0x5f: {  	s3 =	rddreg [dreg:$0x2];
	[bflag:$0x3] =	sbarrier.arrive $0xFFFF;
	s2 =	simm.s32 @!p0 $0x1C02  }
0x60: {  	[timem:s3], [sflag:s2] =	dma.local @!p0 [hbm:s0], s1  }
0x61: {  	s0 =	simm.s32 @!p0 $0x2  }
0x62: {  	_ =	swait.ge @!p0 [sflag:s0], s1  }
0x63: {  	s1 =	ssub.s32 @!p0 $0x0, s1;
	[sflag:s0] =	ssyncset.done @!p0 $0x0  }
0x64: {  	[sflag:s0] =	ssyncadd.s32 @!p0 s1  }
0x65: {  	[bflag:$0x3] =	sbarrier.arrive $0xFFFF  }
0x66: {  	_ =	shalt  }

// kernel: kernel.8.cloned.1.call-start
scs
__scs_entry_jumppad:
0x0: {  	(pc) =	sbr.rel $0x88, $3  }
0x1: {  	(tag) =	ssettag $0x0;
	lr =	simm.s32 $0x1  }
0x2: {  	[smem:$0x3F9B] =	sst lr;
	_ =	strace $0xD0000000  }
0x3: {  	_ = 	snop  }
0x4: {  	_ = 	snop  }
0x5: {  	_ = 	snop  }
0x6: {  	_ = 	snop  }
0x7: {  	_ = 	snop  }
__scs_overlays_trampoline_lowered:
0x8: {  	[smem:$0x3FAA] =	sst s0  }
0x9: {  	[smem:$0x3FAB] =	sst s1  }
0xa: {  	[smem:$0x3FAC] =	sst s2  }
0xb: {  	[smem:$0x3FAD] =	sst s3  }
0xc: {  	[smem:$0x3FAE] =	sst s4  }
0xd: {  	[smem:$0x3FAF] =	sst s5  }
0xe: {  	[smem:$0x3FB0] =	sst s6  }
0xf: {  	[smem:$0x3FB1] =	sst s7  }
0x10: {  	[smem:$0x3FB2] =	sst s8  }
0x11: {  	[smem:$0x3FB3] =	sst s9;
	s0 =	simm.s32 @!p0 $0x0  }
0x12: {  	s1 =	sld [smem:$0x3F99];
	s0 =	simm.s32 @p0 $0x1  }
0x13: {  	[smem:$0x3FB4] =	sst s0;
	s0 =	simm.s32 @!p1 $0x0  }
0x14: {  	s2 =	sld [smem:$0x3F98];
	s0 =	simm.s32 @p1 $0x1  }
0x15: {  	[smem:$0x3FB5] =	sst s0;
	s0 =	simm.s32 @!p2 $0x0  }
0x16: {  	s3 =	sld [smem:$0x3FDB];
	s0 =	simm.s32 @p2 $0x1  }
0x17: {  	s4 =	simm.s32 $0x1BF5;
	[smem:$0x3FB7] =	sst s0  }
0x18: {  	s0 =	sld [smem:$0x3F9A];
	_ =	swait.ge [sflag:s4], $0x0  }
0x19: {  	s7 =	sld [smem:$0x3F9B]  }
0x1a: {  	s8 =	sadd.s32 $0xFFFFE003, lr  }
0x1b: {  	s9 =	sadd.s32 $0xFFFFFEF7, lr;
	s5 =	simm.s32 $0xFFFFFFFF;
	p2 =	slt.u32 s8, $0xFFFFF086  }
0x1c: {  	p1 =	slt.u32 s9, $0xF7A;
	s5 =	simm.s32 @!p2 $0x0  }
0x1d: {  	s5 =	simm.s32 @p1 $0x1;
	p0 =	seq.s32 s7, s2  }
0x1e: {  	s7 =	smul.u32 @!p0 $0xF7A, s2;
	p2 =	seq.s32 @!p0 s5, $0x0  }
0x1f: {  	s9 =	smul.u32 $0xF7A, s1;
	s8 =	simm.s32 @!p0 $0x1BF5;
	p2 =	por !p2, p0  }
0x20: {  	[sflag:s8] =	ssyncset.s32 @!p0 $0xFFFFF086;
	s6 =	sadd.s32 @!p0 s3, s7;
	s7 =	simm.s32 @!p0 $0x108  }
0x21: {  	s3 =	sadd.s32 s3, s9;
	s6 =	sadd.s32 @!p0 $0x88, s6;
	s7 =	simm.s32 @p2 $0x1082  }
0x22: {  	[simem:s7], [sflag:s8] =	dma.local @!p0 [hbm:s6], $0xF7A  }
0x23: {  	s9 =	sor.u32 $0xD0000000, s2;
	s6 =	simm.s32 $0x108;
	_ =	swait.ge @!p0 [sflag:s8], $0x0  }
0x24: {  	s3 =	sadd.s32 $0x88, s3;
	s6 =	simm.s32 @!p1 $0x1082;
	[sflag:s4] =	ssyncset.s32 $0xFFFFF086  }
0x25: {  	[simem:s6], [sflag:s4] =	dma.local [hbm:s3], $0xF7A  }
0x26: {  	[smem:$0x3F9B] =	sst s1;
	(tag) =	ssettag s2;
	_ =	strace s9  }
0x27: {  	s1 =	sld [smem:$0x3FAB]  }
0x28: {  	s2 =	sld [smem:$0x3FAC]  }
0x29: {  	s4 =	sld [smem:$0x3FAE]  }
0x2a: {  	p0 =	seq.s32 s5, $0x0;
	s5 =	sld [smem:$0x3FAF]  }
0x2b: {  	s6 =	sld [smem:$0x3FB0]  }
0x2c: {  	s7 =	sld [smem:$0x3FB1]  }
0x2d: {  	s3 =	simm.s32 $0x108;
	s8 =	sld [smem:$0x3FB2]  }
0x2e: {  	s3 =	simm.s32 @!p0 $0x1082;
	s9 =	sld [smem:$0x3FB3]  }
0x2f: {  	lr =	sadd.s32 s0, s3;
	s0 =	sld [smem:$0x3FAA]  }
0x30: {  	s3 =	sld [smem:$0x3FAD]  }
0x31: {  	[smem:$0x3FB6] =	sst s10  }
0x32: {  	s10 =	sld [smem:$0x3FB4];
	_ =	sdelay $0x3  }
0x33: {  	p0 =	seq.s32 s10, $0x1;
	s10 =	sld [smem:$0x3FB6];
	_ =	sdelay $0x3  }
0x34: {  	[smem:$0x3FB6] =	sst s10  }
0x35: {  	s10 =	sld [smem:$0x3FB5];
	_ =	sdelay $0x3  }
0x36: {  	p1 =	seq.s32 s10, $0x1;
	s10 =	sld [smem:$0x3FB6];
	_ =	sdelay $0x3  }
0x37: {  	[smem:$0x3FB6] =	sst s10  }
0x38: {  	s10 =	sld [smem:$0x3FB7]  }
0x39: {  	_ = 	snop;
	(pc) =	sbr.ind lr, $3  }
0x3a: {  	_ = 	snop  }
0x3b: {  	_ = 	snop  }
0x3c: {  	p2 =	seq.s32 s10, $0x1;
	s10 =	sld [smem:$0x3FB6]  }
0x3d: {  	_ =	shalt  }
0x3e: {  	_ =	shalt  }
0x3f: {  	_ =	shalt  }
0x40: {  	_ =	shalt  }
0x41: {  	_ =	shalt  }
0x42: {  	_ =	shalt  }
0x43: {  	_ =	shalt  }
0x44: {  	_ =	shalt  }
0x45: {  	_ =	shalt  }
0x46: {  	_ =	shalt  }
0x47: {  	_ =	shalt  }
0x48: {  	_ =	shalt  }
0x49: {  	_ =	shalt  }
0x4a: {  	_ =	shalt  }
0x4b: {  	_ =	shalt  }
0x4c: {  	_ =	shalt  }
0x4d: {  	_ =	shalt  }
0x4e: {  	_ =	shalt  }
0x4f: {  	_ =	shalt  }
0x50: {  	_ =	shalt  }
0x51: {  	_ =	shalt  }
0x52: {  	_ =	shalt  }
0x53: {  	_ =	shalt  }
0x54: {  	_ =	shalt  }
0x55: {  	_ =	shalt  }
0x56: {  	_ =	shalt  }
0x57: {  	_ =	shalt  }
0x58: {  	_ =	shalt  }
0x59: {  	_ =	shalt  }
0x5a: {  	_ =	shalt  }
0x5b: {  	_ =	shalt  }
0x5c: {  	_ =	shalt  }
0x5d: {  	_ =	shalt  }
0x5e: {  	_ =	shalt  }
0x5f: {  	_ =	shalt  }
0x60: {  	_ =	shalt  }
0x61: {  	_ =	shalt  }
0x62: {  	_ =	shalt  }
0x63: {  	_ =	shalt  }
0x64: {  	_ =	shalt  }
0x65: {  	_ =	shalt  }
0x66: {  	_ =	shalt  }
0x67: {  	_ =	shalt  }
0x68: {  	_ =	shalt  }
0x69: {  	_ =	shalt  }
0x6a: {  	_ =	shalt  }
0x6b: {  	_ =	shalt  }
0x6c: {  	_ =	shalt  }
0x6d: {  	_ =	shalt  }
0x6e: {  	_ =	shalt  }
0x6f: {  	_ =	shalt  }
0x70: {  	_ =	shalt  }
0x71: {  	_ =	shalt  }
0x72: {  	_ =	shalt  }
0x73: {  	_ =	shalt  }
0x74: {  	_ =	shalt  }
0x75: {  	_ =	shalt  }
0x76: {  	_ =	shalt  }
0x77: {  	_ =	shalt  }
0x78: {  	_ =	shalt  }
0x79: {  	_ =	shalt  }
0x7a: {  	_ =	shalt  }
0x7b: {  	_ =	shalt  }
0x7c: {  	_ =	shalt  }
0x7d: {  	_ =	shalt  }
0x7e: {  	_ =	shalt  }
0x7f: {  	_ =	shalt  }
0x80: {  	_ =	shalt  }
0x81: {  	_ =	shalt  }
0x82: {  	_ =	shalt  }
0x83: {  	_ =	shalt  }
0x84: {  	_ =	shalt  }
0x85: {  	_ =	shalt  }
0x86: {  	_ =	shalt  }
0x87: {  	_ =	shalt  }
.Lfunc_end0:
.L_simem_size_0:
called_computation_lowered:
.L_overlay_start_0:
0x88: {  	s2 =	sld [smem:$0x3FD9]  }
0x89: {  	s3 =	sld [smem:$0x3FFE];
	_ =	sdelay $0x1  }
0x8a: {  	s1 =	srdreg.scid  }
0x8b: {  	s0 =	sand.u32 $0x1, s1  }
0x8c: {  	s17 =	sshll.u32 s0, $0xA;
	s2 =	sadd.s32 s3, s2  }
0x8d: {  	s2 =	sadd.s32 s2, s17  }
0x8e: {  	[smem:$0x3FC2] =	sst s2  }
0x8f: {  	_ = 	snop  }
0x90: {  	s2 =	sld [smem:$0x3FC6]  }
0x91: {  	s18 =	sld [smem:$0x3FD0];
	(tm) =	ssettm $0x1  }
0x92: {  	s4 =	sld [smem:$0x3FFB];
	_ =	sdelay $0x3  }
0x93: {  	_ =	strace s4  }
0x94: {  	s4 =	sld [smem:$0x3FFC];
	_ =	sdelay $0x3  }
0x95: {  	_ =	strace s4  }
0x96: {  	s4 =	sld [smem:$0x3FFD];
	_ =	sdelay $0x3  }
0x97: {  	_ =	strace s4  }
0x98: {  	_ =	strace $0x8FFFFFFF  }
0x99: {  	s19 =	sld [smem:$0x3FDB];
	_ =	sdelay $0x1  }
0x9a: {  	s5 =	simm.s32 $_scs_section_size  }
0x9b: {  	s6 =	simm.s32 $_size__tile_overlayer_lowered;
	s7 =	simm.s32 $_tile_overlayer_lowered  }
0x9c: {  	s22 =	simm.s32 $0x1BFF;
	s21 =	sshll.u32 s7, $0x1;
	s4 =	sadd.s32 s5, s19  }
0x9d: {  	s8 =	simm.s32 $0x0;
	s20 =	sshll.u32 s6, $0x1;
	s6 =	sadd.s32 s21, s4  }
0x9e: {  	[timem:s8], [sflag:s22] =	dma.local [hbm:s6], s20  }
0x9f: {  	_ =	swait.ge [sflag:s22], s20  }
0xa0: {  	s5 =	ssub.s32 $0x0, s20;
	[sflag:s22] =	ssyncset.done $0x0  }
0xa1: {  	[sflag:s22] =	ssyncadd.s32 s5;
	_ =	sdelay $0x1  }
0xa2: {  	s23 =	simm.s32 $0x1B8B  }
0xa3: {  	_ =	swait.ge [sflag:s23], $0x1  }
0xa4: {  	[sflag:s23] =	ssyncset.done $0x0  }
0xa5: {  	s25 =	simm.s32 $0x1B8E;
	s24 =	sld [smem:$0x3FFE];
	[sflag:s23] =	ssyncadd.s32 $0xFFFFFFFF  }
0xa6: {  	s26 =	simm.s32 $execute0_lowered;
	[smem:$0x3FD2] =	sst s25  }
0xa7: {  	s6 =	sshll.u32 s26, $0x1;
	_ =	strace $0x80000046;
	[dreg:$0x1] =	wrdreg $0xFFFFFFFF  }
0xa8: {  	s28 =	simm.s32 $_size_execute0_lowered;
	s4 =	sadd.s32 s4, s6;
	[dreg:$0x0] =	wrdreg $0x0  }
0xa9: {  	s6 =	sshll.u32 s28, $0x1;
	[dreg:$0x2] =	wrdreg s4  }
0xaa: {  	[dreg:$0x3] =	wrdreg s6  }
0xab: {  	[dreg:$0x4] =	wrdreg $0xC0  }
0xac: {  	_ =	task [dreg:s8], $0x5FFFF  }
0xad: {  	[dreg:$0x1] =	wrdreg $0xFFFFFFFF  }
0xae: {  	[dreg:$0x0] =	wrdreg $0x60  }
0xaf: {  	[dreg:$0x2] =	wrdreg s2  }
0xb0: {  	[dreg:$0x3] =	wrdreg s18  }
0xb1: {  	[dreg:$0x4] =	wrdreg s24  }
0xb2: {  	[dreg:$0x5] =	wrdreg $0x9  }
0xb3: {  	_ =	task.clear_ibuf [dreg:s8], $0x6FFFF;
	_ =	strace $0x90000046  }
0xb4: {  	s29 =	simm.s32 $0x9;
	_ =	strace $0x80000048  }
0xb5: {  	_ =	swait.ge [sflag:s29], $0x1  }
0xb6: {  	[sflag:s29] =	ssyncadd.s32 $0xFFFFFFFF  }
0xb7: {  	_ =	strace $0x90000048  }
0xb8: {  	_ =	sfence  }
0xb9: {  	s30 =	sld [smem:$0x0];
	_ =	sdelay $0x2  }
0xba: {  	s31 =	sshll.u32 s1, $0xD;
	s1 =	sshrl.u32 s1, $0x2  }
0xbb: {  	s3 =	sand.u32 $0x4000, s31;
	s1 =	sadd.s32 s1, s30  }
0xbc: {  	s0 =	sor.u32 s3, s0;
	s1 =	sshll.u32 s1, $0x11  }
0xbd: {  	s0 =	sor.u32 s1, s0  }
0xbe: {  	s0 =	sadd.s32 $0x8F2B, s0  }
0xbf: {  	[sflag:s0] =	ssyncadd.remote.s32 $0x1  }
0xc0: {  	_ =	sfence.sel $0xFFFF  }
0xc1: {  	[dreg:$0x0] =	wrdreg $0xFFFFFFFF;
	(pc) =	sbr.abs _section_cstart, $3  }
0xc2: {  	[dreg:$0x1] =	wrdreg $0xFFFFFFFF  }
0xc3: {  	_ =	task.clear_ibuf [dreg:s8], $0x2FFFF;
	_ =	strace $0x9FFFFFFF  }
0xc4: {  	(tm) =	ssettm $0x7FFFFFFF  }
0xc5: {  	_ =	shalt  }
tec
execute0_lowered:
.L_overlay_start_1:
0x0: {  	(tag) =	ssettag $0x1  }
0x1: {  	s1 =	rddreg [dreg:$0x0]  }
0x2: {  	s4 =	rddreg [dreg:$0x1]  }
0x3: {  	s5 =	rddreg [dreg:$0x2]  }
0x4: {  	s0 =	rddreg [dreg:$0x3];
	s6 =	srdreg.scid  }
0x5: {  	s3 =	simm.s32 $0x0;
	s2 =	stileid.u32;
	s10 =	simm.s32 $0x880  }
0x6: {  	s11 =	simm.s32 $0x1080;
	s12 =	simm.s32 $0x1880;
	s13 =	simm.s32 $0x2080  }
0x7: {  	s14 =	simm.s32 $0x2880;
	s15 =	simm.s32 $0x3080;
	s16 =	simm.s32 $0x3880  }
0x8: {  	s17 =	simm.s32 $0x4080;
	s18 =	simm.s32 $0x4880;
	s19 =	simm.s32 $0x5080  }
0x9: {  	s20 =	simm.s32 $0x5880;
	s21 =	simm.s32 $0x6080;
	s22 =	simm.s32 $0x6880  }
0xa: {  	s23 =	simm.s32 $0x7080;
	s24 =	simm.s32 $0x7880;
	s6 =	sand.u32 $0x1, s6  }
0xb: {  	s25 =	simm.s32 $0x1;
	s7 =	sshll.u32 s2, $0x7;
	s8 =	sshll.u32 s6, $0x6  }
0xc: {  	[smem:$0x7FF] =	sst s3;
	s6 =	ssub.s32 $0x2, s6;
	s7 =	sor.u32 s8, s7  }
0xd: {  	_ =	strace $0x80000047;
	s9 =	sshrl.u32 s6, $0x1;
	s8 =	sshll.u32 s7, $0x6  }
0xe: {  	v2 =	vlaneseq.u32;
	s7 =	sshrl.u32 s7, $0x3;
	s9 =	ssub.s32 s6, s9;
	s8 =	sadd.s32 s8, s5  }
0xf: {  	vm0 =	vmmov $0xffff;
	v1 =	vshrl.u32 v2, $0x3;
	s4 =	sadd.s32 s4, s7;
	s5 =	sadd.s32 $0x100, s1;
	s7 =	smax.u32 s9, $0x1  }
0x10: {  	v0 =	vand.u32 $0x7, v2;
	v2 =	vor.u32 $0x8, v2;
	v1 =	vmul.u32 $0x8, v1;
	s9 =	simm.s32 $0x80;
	s6 =	sadd.s32 $0xE00, s8;
	s8 =	simm.s32 $0x2  }
.LBB2_1:
0x11: {  	[tilespmem:s3], [sflag:$0x2] =	stream.linear.gather [hbm4b:s4+s3], $0x40, $0x38;
	[tilespmem:$0x8080] =	vst v63  }
0x12: {  	_ =	swait.ge [sflag:s8], $0x40  }
0x13: {  	[sflag:s8] =	ssyncset.done $0x0  }
0x14: {  	[sflag:s8] =	ssyncadd.s32 $0xFFFFFFC0  }
0x15: {  	v3 =	vld [tilespmem:$0x0];
	_ =	sdelay $0x4  }
0x16: {  	v4 =	vshll.u32 v3, $0x2  }
0x17: {  	v3 =	vand.u32 $0x7, v3;
	v4 =	vand.u32 $0xFFFFFFE0, v4  }
0x18: {  	v3 =	vor.u32 v3, v4  }
0x19: {  	v4 =	vperm.xlane v3, v0;
	_ =	sdelay $0x1  }
0x1a: {  	v4 =	vadd.s32 v1, v4;
	_ =	sdelay $0x1  }
0x1b: {  	v3 =	vperm.xlane v3, v2;
	_ =	sdelay $0x1  }
0x1c: {  	v3 =	vadd.s32 v1, v3  }
0x1d: {  	[tilespmem:s9], [sflag:$0x1] =	stream.indirect_vreg.gather [hbm4b:s1+s3], $0x80, v4, vm0, $0xb8;
	[tilespmem:$0x8080] =	vst v63  }
0x1e: {  	_ = 	snop  }
0x1f: {  	[tilespmem:s10], [sflag:$0x1] =	stream.indirect_vreg.gather [hbm4b:s5+s3], $0x80, v4, vm0, $0xb8;
	[tilespmem:$0x8080] =	vst v63  }
0x20: {  	_ = 	snop  }
0x21: {  	[tilespmem:s11], [sflag:$0x1] =	stream.indirect_vreg.gather [hbm4b:s1+s3], $0x80, v3, vm0, $0xb8;
	[tilespmem:$0x8080] =	vst v63  }
0x22: {  	_ = 	snop  }
0x23: {  	[tilespmem:s12], [sflag:$0x1] =	stream.indirect_vreg.gather [hbm4b:s5+s3], $0x80, v3, vm0, $0xb8;
	[tilespmem:$0x8080] =	vst v63  }
0x24: {  	v3 =	vld [tilespmem:$0x10];
	_ =	sdelay $0x4  }
0x25: {  	v61 =	vshll.u32 v3, $0x2  }
0x26: {  	v3 =	vand.u32 $0x7, v3;
	v4 =	vand.u32 $0xFFFFFFE0, v61  }
0x27: {  	v3 =	vor.u32 v3, v4  }
0x28: {  	v4 =	vperm.xlane v3, v0;
	_ =	sdelay $0x1  }
0x29: {  	v4 =	vadd.s32 v1, v4;
	_ =	sdelay $0x1  }
0x2a: {  	v3 =	vperm.xlane v3, v2;
	_ =	sdelay $0x1  }
0x2b: {  	v3 =	vadd.s32 v1, v3  }
0x2c: {  	[tilespmem:s13], [sflag:$0x1] =	stream.indirect_vreg.gather [hbm4b:s1+s3], $0x80, v4, vm0, $0xb8;
	[tilespmem:$0x8080] =	vst v63  }
0x2d: {  	_ = 	snop  }
0x2e: {  	[tilespmem:s14], [sflag:$0x1] =	stream.indirect_vreg.gather [hbm4b:s5+s3], $0x80, v4, vm0, $0xb8;
	[tilespmem:$0x8080] =	vst v63  }
0x2f: {  	_ = 	snop  }
0x30: {  	[tilespmem:s15], [sflag:$0x1] =	stream.indirect_vreg.gather [hbm4b:s1+s3], $0x80, v3, vm0, $0xb8;
	[tilespmem:$0x8080] =	vst v63  }
0x31: {  	_ = 	snop  }
0x32: {  	[tilespmem:s16], [sflag:$0x1] =	stream.indirect_vreg.gather [hbm4b:s5+s3], $0x80, v3, vm0, $0xb8;
	[tilespmem:$0x8080] =	vst v63  }
0x33: {  	v3 =	vld [tilespmem:$0x20];
	_ =	sdelay $0x4  }
0x34: {  	v62 =	vshll.u32 v3, $0x2  }
0x35: {  	v3 =	vand.u32 $0x7, v3;
	v4 =	vand.u32 $0xFFFFFFE0, v62  }
0x36: {  	v3 =	vor.u32 v3, v4  }
0x37: {  	v4 =	vperm.xlane v3, v0;
	_ =	sdelay $0x1  }
0x38: {  	v4 =	vadd.s32 v1, v4;
	_ =	sdelay $0x1  }
0x39: {  	v3 =	vperm.xlane v3, v2;
	_ =	sdelay $0x1  }
0x3a: {  	v3 =	vadd.s32 v1, v3  }
0x3b: {  	[tilespmem:s17], [sflag:$0x1] =	stream.indirect_vreg.gather [hbm4b:s1+s3], $0x80, v4, vm0, $0xb8;
	[tilespmem:$0x8080] =	vst v63  }
0x3c: {  	_ = 	snop  }
0x3d: {  	[tilespmem:s18], [sflag:$0x1] =	stream.indirect_vreg.gather [hbm4b:s5+s3], $0x80, v4, vm0, $0xb8;
	[tilespmem:$0x8080] =	vst v63  }
0x3e: {  	_ = 	snop  }
0x3f: {  	[tilespmem:s19], [sflag:$0x1] =	stream.indirect_vreg.gather [hbm4b:s1+s3], $0x80, v3, vm0, $0xb8;
	[tilespmem:$0x8080] =	vst v63  }
0x40: {  	_ = 	snop  }
0x41: {  	[tilespmem:s20], [sflag:$0x1] =	stream.indirect_vreg.gather [hbm4b:s5+s3], $0x80, v3, vm0, $0xb8;
	[tilespmem:$0x8080] =	vst v63  }
0x42: {  	v3 =	vld [tilespmem:$0x30];
	_ =	sdelay $0x4  }
0x43: {  	v63 =	vshll.u32 v3, $0x2  }
0x44: {  	v3 =	vand.u32 $0x7, v3;
	v4 =	vand.u32 $0xFFFFFFE0, v63  }
0x45: {  	v3 =	vor.u32 v3, v4  }
0x46: {  	v4 =	vperm.xlane v3, v0;
	_ =	sdelay $0x1  }
0x47: {  	v4 =	vadd.s32 v1, v4;
	_ =	sdelay $0x1  }
0x48: {  	v3 =	vperm.xlane v3, v2;
	_ =	sdelay $0x1  }
0x49: {  	v3 =	vadd.s32 v1, v3  }
0x4a: {  	[tilespmem:s21], [sflag:$0x1] =	stream.indirect_vreg.gather [hbm4b:s1+s3], $0x80, v4, vm0, $0xb8;
	[tilespmem:$0x8080] =	vst v63  }
0x4b: {  	_ = 	snop  }
0x4c: {  	[tilespmem:s22], [sflag:$0x1] =	stream.indirect_vreg.gather [hbm4b:s5+s3], $0x80, v4, vm0, $0xb8;
	[tilespmem:$0x8080] =	vst v63  }
0x4d: {  	_ = 	snop  }
0x4e: {  	[tilespmem:s23], [sflag:$0x1] =	stream.indirect_vreg.gather [hbm4b:s1+s3], $0x80, v3, vm0, $0xb8;
	[tilespmem:$0x8080] =	vst v63  }
0x4f: {  	_ = 	snop  }
0x50: {  	[tilespmem:s24], [sflag:$0x1] =	stream.indirect_vreg.gather [hbm4b:s5+s3], $0x80, v3, vm0, $0xb8;
	[tilespmem:$0x8080] =	vst v63  }
0x51: {  	_ =	swait.ge [sflag:s25], $0x8000  }
0x52: {  	p0 =	sne.s32 s7, $0x1;
	[sflag:s25] =	ssyncset.done $0x0  }
.Ltmp0:
0x53: {  	[sflag:s25] =	ssyncadd.s32 $0xFFFF8000;
	(pc) =	sbr.rel @p0 .LBB2_1-.Ltmp0, $4  }
0x54: {  	[hbm4b:s6+s3] =	stream.linear.scatter [tilespmem:s9], [sflag:$0x2], $0x8000, $0x38;
	[tilespmem:$0x8080] =	vst v63  }
0x55: {  	_ =	swait.ge [sflag:s8], $0x8000  }
0x56: {  	[sflag:s8] =	ssyncset.done $0x0  }
0x57: {  	s7 =	sadd.s32 $0xFFFFFFFF, s7;
	[sflag:s8] =	ssyncadd.s32 $0xFFFF8000  }
0x58: {  	_ =	sfence.sel $0x180000  }
0x59: {  	[bflag:$0x0] =	sbarrier.arrive $0xFFFF  }
0x5a: {  	p0 =	sne.s32 s2, $0x0;
	_ =	strace $0x90000047  }
0x5b: {  	s0 =	sadd.s32 @!p0 $0x100000, s0;
	[bflag:$0x2] =	sbarrier.arrive $0xFFFF  }
0x5c: {  	[sflag:s0] =	ssyncadd.tile.s32 @!p0 $0x1;
	_ =	shalt  }
.Lfunc_end2:
_tile_overlayer_lowered:
.L_overlay_start_2:
0x5d: {  	(tag) =	ssettag $0x2  }
0x5e: {  	s0 =	rddreg [dreg:$0x0];
	s2 =	stileid.u32  }
0x5f: {  	s1 =	rddreg [dreg:$0x1];
	p0 =	sne.s32 s2, $0x0  }
0x60: {  	s3 =	rddreg [dreg:$0x2];
	[bflag:$0x3] =	sbarrier.arrive $0xFFFF;
	s2 =	simm.s32 @!p0 $0x1C02  }
0x61: {  	[timem:s3], [sflag:s2] =	dma.local @!p0 [hbm:s0], s1  }
0x62: {  	s0 =	simm.s32 @!p0 $0x2  }
0x63: {  	_ =	swait.ge @!p0 [sflag:s0], s1  }
0x64: {  	s1 =	ssub.s32 @!p0 $0x0, s1;
	[sflag:s0] =	ssyncset.done @!p0 $0x0  }
0x65: {  	[sflag:s0] =	ssyncadd.s32 @!p0 s1  }
0x66: {  	[bflag:$0x3] =	sbarrier.arrive $0xFFFF  }
0x67: {  	_ =	shalt  }

</sc_bundles>
